<compile_context>
chip_gen: v7x
topology: tpu7x:2x2x1
jax: 0.10.2.dev20260603
libtpu: 0.0.44.dev20260713+nightly
codegen_flags: <defaults>
</compile_context>

<pallas_src>
import jax
import jax.numpy as jnp
from jax import lax
from jax.experimental import pallas as pl
from jax.experimental.pallas import tpu as pltpu
from jax.experimental.pallas import tpu_sc as plsc

N_NODES = 50000
NUM_SEGS = 512
DIM = 256
NC, NS = 2, 16
NW = NC * NS
SEGW = NUM_SEGS // NW
NV = DIM // 16
T = 256
IDPAD = N_NODES + 16
STW = 48


def _sc_pool(nodes_hbm, ids_hbm, sums_hbm, cnts_hbm,
             buf_v, acc_v, ids_v, st_s, cnt_v):
    sid = lax.axis_index("s")
    cid = lax.axis_index("c")
    wid = sid * NC + cid
    seg0 = wid * SEGW

    pltpu.sync_copy(ids_hbm, ids_v.at[pl.ds(0, N_NODES)])
    ids_v[pl.ds(N_NODES, 16)] = jnp.full((16,), jnp.int32(2**31 - 1))

    def _z(i, _):
        def _zc(j, _):
            acc_v[i, pl.ds(j * 16, 16)] = jnp.zeros((16,), jnp.float32)
            return 0
        return lax.fori_loop(0, NV, _zc, 0)
    lax.fori_loop(0, SEGW, _z, 0)

    lane = lax.iota(jnp.int32, 16)

    def _bnd(m, vecs):
        target = seg0 + m

        def _bs(_, lh):
            lo, hi = lh
            mid = (lo + hi) // 2
            v = ids_v[pl.ds(jnp.minimum(mid, N_NODES - 1), 16)][0]
            lt = v < target
            return (jnp.where(lt, jnp.minimum(mid + 1, hi), lo),
                    jnp.where(lt, hi, mid))

        lo, _ = lax.fori_loop(0, 16, _bs,
                              (jnp.int32(0), jnp.int32(N_NODES)))
        v0, v1 = vecs
        v0 = jnp.where(lane == m, lo, v0)
        v1 = jnp.where(lane == m - 16, lo, v1)
        return (v0, v1)

    z16 = jnp.zeros((16,), jnp.int32)
    v0, v1 = lax.fori_loop(0, SEGW + 1, _bnd, (z16, z16))
    st_s[pl.ds(0, 16)] = v0
    st_s[pl.ds(16, 16)] = v1

    row_lo = st_s[pl.ds(0, 16)][0]
    row_hi = st_s[pl.ds(SEGW, 16)][0]
    w0 = pl.multiple_of((row_lo // 8) * 8, 8)
    n_win = (row_hi - w0 + T - 1) // T

    def _win(j, _):
        w = w0 + j * T
        wc = pl.multiple_of(jnp.minimum(w, N_NODES - T), 8)
        pltpu.sync_copy(nodes_hbm.at[pl.ds(wc, T)], buf_v)

        def _seg(k, _):
            a = st_s[pl.ds(k, 16)][0]
            b = st_s[pl.ds(k + 1, 16)][0]
            lo = jnp.maximum(a, w) - wc
            hi = jnp.minimum(b, w + T) - wc

            def _row(r, accs):
                return tuple(accs[j2] + buf_v[r, pl.ds(j2 * 16, 16)]
                             for j2 in range(NV))
            accs0 = tuple(jnp.zeros((16,), jnp.float32) for _ in range(NV))
            accs = lax.fori_loop(lo, hi, _row, accs0)

            @pl.when(hi > lo)
            def _():
                for j2 in range(NV):
                    plsc.addupdate(acc_v.at[k, pl.ds(j2 * 16, 16)], accs[j2])
            return 0

        lax.fori_loop(0, SEGW, _seg, 0)
        return 0

    lax.fori_loop(0, n_win, _win, 0)

    pltpu.sync_copy(acc_v, sums_hbm.at[pl.ds(seg0, SEGW)])
    cnt_v[pl.ds(0, 16)] = st_s[pl.ds(1, 16)] - st_s[pl.ds(0, 16)]
    pltpu.sync_copy(cnt_v, cnts_hbm.at[pl.ds(seg0, SEGW)])


def _tc_finish(ps_ref, pc_ref, w1_ref, b1_ref, w2_ref, b2_ref, g_ref, z_ref):
    counts = jnp.maximum(pc_ref[...].astype(jnp.float32), 1.0)
    g = ps_ref[...] / counts
    g_ref[...] = g
    h = lax.dot_general(g, w1_ref[...], (((1,), (1,)), ((), ())),
                        preferred_element_type=jnp.float32) + b1_ref[...]
    h = jnp.maximum(h, 0.0)
    z_ref[...] = lax.dot_general(h, w2_ref[...], (((1,), (1,)), ((), ())),
                                 preferred_element_type=jnp.float32) + b2_ref[...]


def kernel(node_rep, batch_ids, W1, b1, W2, b2):
    ids32 = batch_ids.astype(jnp.int32)

    mesh = plsc.VectorSubcoreMesh(core_axis_name="c", subcore_axis_name="s",
                                  num_cores=NC, num_subcores=NS)
    sums, cnts = pl.kernel(
        _sc_pool,
        out_type=(jax.ShapeDtypeStruct((NUM_SEGS, DIM), jnp.float32),
                  jax.ShapeDtypeStruct((NUM_SEGS,), jnp.int32)),
        mesh=mesh,
        scratch_types=[
            pltpu.VMEM((T, DIM), jnp.float32),
            pltpu.VMEM((SEGW, DIM), jnp.float32),
            pltpu.VMEM((IDPAD,), jnp.int32),
            pltpu.VMEM((STW,), jnp.int32),
            pltpu.VMEM((16,), jnp.int32),
        ],
    )(node_rep, ids32)

    g, z = pl.pallas_call(
        _tc_finish,
        out_shape=(jax.ShapeDtypeStruct((NUM_SEGS, DIM), jnp.float32),
                   jax.ShapeDtypeStruct((NUM_SEGS, DIM), jnp.float32)),
    )(sums, cnts.reshape(NUM_SEGS, 1), W1, b1.reshape(1, DIM),
      W2, b2.reshape(1, DIM))

    return (g, z)

# --- scband reference (transcript-rebuilt; emitter-appended) ---
"""Pipeline reference for scband-graph-clhead-24653112279571 (READ-ONLY COPY).

The authoritative reference and input builder live on the scoring server;
editing this copy changes nothing except your own understanding.
"""

import jax, jax.numpy as jnp
import numpy as np

NUM_GRAPHS = 512
IN_DIM = 256
N_NODES = 50000

def setup_inputs(seed: int = 0) -> dict:
    key = jax.random.key(seed)
    k1, k2, k3, k4, k5, k6 = jax.random.split(key, 6)
    node_rep = jax.random.normal(k1, (N_NODES, IN_DIM), dtype=jnp.float32)
    batch_ids = jnp.sort(jax.random.randint(k2, (N_NODES,), 0, NUM_GRAPHS, dtype=jnp.int64))
    s = 1.0 / np.sqrt(IN_DIM)
    W1 = jax.random.uniform(k3, (IN_DIM, IN_DIM), minval=-s, maxval=s, dtype=jnp.float32)
    b1 = jax.random.uniform(k4, (IN_DIM,), minval=-s, maxval=s, dtype=jnp.float32)
    W2 = jax.random.uniform(k5, (IN_DIM, IN_DIM), minval=-s, maxval=s, dtype=jnp.float32)
    b2 = jax.random.uniform(k6, (IN_DIM,), minval=-s, maxval=s, dtype=jnp.float32)
    return {"node_rep": node_rep, "batch_ids": batch_ids, "W1": W1, "b1": b1, "W2": W2, "b2": b2}

def global_mean_pool(x, batch_ids, num_segments):
    sums = jax.ops.segment_sum(x, batch_ids, num_segments=num_segments)
    counts = jax.ops.segment_sum(jnp.ones((x.shape[0],), dtype=x.dtype), batch_ids, num_segments=num_segments)
    counts = jnp.maximum(counts, 1.0)
    return sums / counts[:, None]

def reference(node_rep, batch_ids, W1, b1, W2, b2):
    g = global_mean_pool(node_rep, batch_ids, NUM_GRAPHS)
    h = jnp.maximum(g @ W1.T + b1, 0.0)
    z = h @ W2.T + b2
    return (g, z)

if __name__ == "__main__":
    import jax
    _d = setup_inputs()
    print(jax.jit(kernel)(*tuple(_d.values())))

</pallas_src>

<mosaic_0001>
#map = affine_map<(d0, d1) -> (0, 0)>
#map1 = affine_map<(d0, d1) -> (0)>
module attributes {stable_mosaic.version = 14 : i64} {
  func.func @_sc_pool(%arg0: i32, %arg1: i32, %arg2: memref<50000x256xf32, #tpu.memory_space<hbm>>, %arg3: memref<50000xi32, #tpu.memory_space<hbm>>, %arg4: memref<512x256xf32, #tpu.memory_space<hbm>>, %arg5: memref<512xi32, #tpu.memory_space<hbm>>, %arg6: memref<256x256xf32, #tpu.memory_space<vmem>>, %arg7: memref<16x256xf32, #tpu.memory_space<vmem>>, %arg8: memref<50016xi32, #tpu.memory_space<vmem>>, %arg9: memref<48xi32, #tpu.memory_space<vmem>>, %arg10: memref<16xi32, #tpu.memory_space<vmem>>) attributes {dimension_semantics = [#tpu.dimension_semantics<core_parallel>, #tpu.dimension_semantics<subcore_parallel>], iteration_bounds = array<i64: 2, 16>, scalar_prefetch = 0 : i64, scratch_operands = 5 : i64, tpu.core_type = #tpu.core_type<sc_vector_subcore>, window_params = [{transform_indices = #map}, {transform_indices = #map1}, {transform_indices = #map}, {transform_indices = #map1}]} {
    %mul3A = arith.constant 2 : i32
    %mul3A_0 = arith.muli %arg1, %mul3A : i32
    %add3A = arith.addi %mul3A_0, %arg0 : i32
    %mul3A_1 = arith.constant 16 : i32
    %mul3A_2 = arith.muli %add3A, %mul3A_1 : i32
    "tpu.region"() ({
      %run_scoped3A = tpu.sem_alloc : memref<!tpu.dma_semaphore, #tpu.memory_space<semaphore_mem>>
      %dma_start3A = arith.constant 0 : i32
      %dma_start3A_105 = tpu.memref_slice %arg8[%dma_start3A] : memref<50016xi32, #tpu.memory_space<vmem>> -> memref<50000xi32, #tpu.memory_space<vmem>>
      %dma_start3A_106 = arith.constant 0 : i32
      %dma_start3A_107 = tpu.memref_slice %arg8[%dma_start3A_106] : memref<50016xi32, #tpu.memory_space<vmem>> -> memref<50000xi32, #tpu.memory_space<vmem>>
      tpu.enqueue_dma source(%arg3 : memref<50000xi32, #tpu.memory_space<hbm>>) target(%dma_start3A_107 : memref<50000xi32, #tpu.memory_space<vmem>>) target_semaphore(%run_scoped3A : memref<!tpu.dma_semaphore, #tpu.memory_space<semaphore_mem>>)
      %dma_wait3A = arith.constant 0 : i32
      %dma_wait3A_108 = tpu.memref_slice %arg8[%dma_wait3A] : memref<50016xi32, #tpu.memory_space<vmem>> -> memref<50000xi32, #tpu.memory_space<vmem>>
      %dma_wait3A_109 = arith.constant 0 : i32
      %dma_wait3A_110 = tpu.memref_slice %arg8[%dma_wait3A_109] : memref<50016xi32, #tpu.memory_space<vmem>> -> memref<50000xi32, #tpu.memory_space<vmem>>
      tpu.wait_dma2 semaphore(%run_scoped3A : memref<!tpu.dma_semaphore, #tpu.memory_space<semaphore_mem>>) src(%arg3 : memref<50000xi32, #tpu.memory_space<hbm>>) dst(%dma_wait3A_110 : memref<50000xi32, #tpu.memory_space<vmem>>)
      tpu.yield
    }) : () -> ()
    %broadcast_in_dim3A = arith.constant 2147483647 : i32
    %broadcast_in_dim3A_3 = vector.broadcast %broadcast_in_dim3A : i32 to vector<16xi32>
    %swap3A = arith.constant 50000 : index
    %swap3A_4 = tpu.vector_load %arg8[%swap3A] {strides = array<i32>} : memref<50016xi32, #tpu.memory_space<vmem>>, vector<16xi32>,
    %swap3A_5 = vector.shape_cast %swap3A_4 : vector<16xi32> to vector<16xi32>
    %swap3A_6 = vector.shape_cast %broadcast_in_dim3A_3 : vector<16xi32> to vector<16xi32>
    tpu.vector_store %arg8[%swap3A], %swap3A_6 {strides = array<i32>} : memref<50016xi32, #tpu.memory_space<vmem>>, vector<16xi32>,
    %scan3A = arith.constant 0 : i32
    %scan3A_7 = arith.constant 0 : i32
    %scan3A_8 = arith.constant 16 : i32
    %scan3A_9 = arith.addi %scan3A_7, %scan3A_8 : i32
    %scan3A_10 = arith.constant 1 : i32
    %scan3A_11 = scf.for %scan3A_105 = %scan3A_7 to %scan3A_9 step %scan3A_10 iter_args(%scan3A_106 = %scan3A) -> (i32)  : i32 {
      %scan3A_107 = arith.constant 0 : i32
      %scan3A_108 = arith.constant 0 : i32
      %scan3A_109 = arith.constant 16 : i32
      %scan3A_110 = arith.addi %scan3A_108, %scan3A_109 : i32
      %scan3A_111 = arith.constant 1 : i32
      %scan3A_112 = scf.for %scan3A_114 = %scan3A_108 to %scan3A_110 step %scan3A_111 iter_args(%scan3A_115 = %scan3A_107) -> (i32)  : i32 {
        %broadcast_in_dim3A_116 = arith.constant 0.000000e+00 : f32
        %broadcast_in_dim3A_117 = vector.broadcast %broadcast_in_dim3A_116 : f32 to vector<16xf32>
        %mul3A_118 = arith.constant 16 : i32
        %mul3A_119 = arith.muli %scan3A_114, %mul3A_118 : i32
        %swap3A_120 = arith.index_cast %scan3A_105 : i32 to index
        %swap3A_121 = arith.index_cast %mul3A_119 : i32 to index
        %swap3A_122 = tpu.vector_load %arg7[%swap3A_120, %swap3A_121] {strides = array<i32>} : memref<16x256xf32, #tpu.memory_space<vmem>>, vector<1x16xf32>,
        %swap3A_123 = vector.shape_cast %swap3A_122 : vector<1x16xf32> to vector<16xf32>
        %swap3A_124 = vector.shape_cast %broadcast_in_dim3A_117 : vector<16xf32> to vector<1x16xf32>
        tpu.vector_store %arg7[%swap3A_120, %swap3A_121], %swap3A_124 {strides = array<i32>} : memref<16x256xf32, #tpu.memory_space<vmem>>, vector<1x16xf32>,
        %scan3A_125 = arith.constant 0 : i32
        scf.yield %scan3A_125 : i32
      }
      %scan3A_113 = arith.constant 16 : i32
      scf.yield %scan3A_112 : i32
    }
    %scan3A_12 = arith.constant 16 : i32
    %iota3A = tpu.iota {dimensions = array<i32: 0>} : vector<16xi32>
    %broadcast_in_dim3A_13 = arith.constant 0 : i32
    %broadcast_in_dim3A_14 = vector.broadcast %broadcast_in_dim3A_13 : i32 to vector<16xi32>
    %scan3A_15 = arith.constant 0 : i32
    %scan3A_16 = arith.constant 17 : i32
    %scan3A_17 = arith.addi %scan3A_15, %scan3A_16 : i32
    %scan3A_18 = arith.constant 1 : i32
    %scan3A_19:2 = scf.for %scan3A_105 = %scan3A_15 to %scan3A_17 step %scan3A_18 iter_args(%scan3A_106 = %broadcast_in_dim3A_14, %scan3A_107 = %broadcast_in_dim3A_14) -> (vector<16xi32>, vector<16xi32>)  : i32 {
      %add3A_108 = arith.addi %mul3A_2, %scan3A_105 : i32
      %scan3A_109 = arith.constant 0 : i32
      %scan3A_110 = arith.constant 50000 : i32
      %scan3A_111 = arith.constant 0 : i32
      %scan3A_112 = arith.constant 16 : i32
      %scan3A_113 = arith.addi %scan3A_111, %scan3A_112 : i32
      %scan3A_114 = arith.constant 1 : i32
      %scan3A_115:2 = scf.for %scan3A_126 = %scan3A_111 to %scan3A_113 step %scan3A_114 iter_args(%scan3A_127 = %scan3A_109, %scan3A_128 = %scan3A_110) -> (i32, i32)  : i32 {
        %add3A_129 = arith.addi %scan3A_127, %scan3A_128 : i32
        %jit3A_130 = arith.constant 2 : i32
        %div3A_131 = arith.divsi %add3A_129, %jit3A_130 : i32
        %sign3A_132 = arith.constant 0 : i32
        %sign3A_133 = arith.cmpi sgt, %add3A_129, %sign3A_132 : i32
        %sign3A_134 = arith.extui %sign3A_133 : i1 to i32
        %sign3A_135 = arith.constant 0 : i32
        %sign3A_136 = arith.cmpi slt, %add3A_129, %sign3A_135 : i32
        %sign3A_137 = arith.extui %sign3A_136 : i1 to i32
        %sign3A_138 = arith.subi %sign3A_134, %sign3A_137 : i32
        %sign3A_139 = arith.constant 0 : i32
        %sign3A_140 = arith.cmpi sgt, %jit3A_130, %sign3A_139 : i32
        %sign3A_141 = arith.extui %sign3A_140 : i1 to i32
        %sign3A_142 = arith.constant 0 : i32
        %sign3A_143 = arith.cmpi slt, %jit3A_130, %sign3A_142 : i32
        %sign3A_144 = arith.extui %sign3A_143 : i1 to i32
        %sign3A_145 = arith.subi %sign3A_141, %sign3A_144 : i32
        %ne3A_146 = arith.cmpi ne, %sign3A_138, %sign3A_145 : i32
        %rem3A_147 = arith.remsi %add3A_129, %jit3A_130 : i32
        %ne3A_148 = arith.constant 0 : i32
        %ne3A_149 = arith.cmpi ne, %rem3A_147, %ne3A_148 : i32
        %and3A_150 = arith.andi %ne3A_146, %ne3A_149 : i1
        %sub3A_151 = arith.constant 1 : i32
        %sub3A_152 = arith.subi %div3A_131, %sub3A_151 : i32
        %select_n3A_153 = arith.select %and3A_150, %sub3A_152, %div3A_131 : i32
        %min3A = arith.constant 49999 : i32
        %min3A_154 = arith.minsi %select_n3A_153, %min3A : i32
        %get3A_155 = arith.index_cast %min3A_154 : i32 to index
        %get3A_156 = tpu.vector_load %arg8[%get3A_155] {strides = array<i32>} : memref<50016xi32, #tpu.memory_space<vmem>>, vector<16xi32>,
        %get3A_157 = vector.shape_cast %get3A_156 : vector<16xi32> to vector<16xi32>
        %slice3A_158 = vector.extract_strided_slice %get3A_157 {offsets = [0], sizes = [1], strides = [1]} : vector<16xi32> to vector<1xi32>
        %squeeze3A_159 = vector.extract %slice3A_158[0] : i32 from vector<1xi32>
        %lt3A = arith.cmpi slt, %squeeze3A_159, %add3A_108 : i32
        %add3A_160 = arith.constant 1 : i32
        %add3A_161 = arith.addi %select_n3A_153, %add3A_160 : i32
        %min3A_162 = arith.minsi %add3A_161, %scan3A_128 : i32
        %select_n3A_163 = arith.select %lt3A, %min3A_162, %scan3A_127 : i32
        %select_n3A_164 = arith.select %lt3A, %scan3A_128, %select_n3A_153 : i32
        scf.yield %select_n3A_163, %select_n3A_164 : i32, i32
      }
      %scan3A_116 = arith.constant 16 : i32
      %eq3A = vector.broadcast %scan3A_105 : i32 to vector<16xi32>
      %eq3A_117 = arith.cmpi eq, %iota3A, %eq3A : vector<16xi32>
      %broadcast_in_dim3A_118 = vector.broadcast %scan3A_115#0 : i32 to vector<16xi32>
      %select_n3A_119 = arith.select %eq3A_117, %broadcast_in_dim3A_118, %scan3A_106 : vector<16xi1>, vector<16xi32>
      %sub3A_120 = arith.constant 16 : i32
      %sub3A_121 = arith.subi %scan3A_105, %sub3A_120 : i32
      %eq3A_122 = vector.broadcast %sub3A_121 : i32 to vector<16xi32>
      %eq3A_123 = arith.cmpi eq, %iota3A, %eq3A_122 : vector<16xi32>
      %broadcast_in_dim3A_124 = vector.broadcast %scan3A_115#0 : i32 to vector<16xi32>
      %select_n3A_125 = arith.select %eq3A_123, %broadcast_in_dim3A_124, %scan3A_107 : vector<16xi1>, vector<16xi32>
      scf.yield %select_n3A_119, %select_n3A_125 : vector<16xi32>, vector<16xi32>
    }
    %scan3A_20 = arith.constant 17 : i32
    %swap3A_21 = arith.constant 0 : index
    %swap3A_22 = tpu.vector_load %arg9[%swap3A_21] {strides = array<i32>} : memref<48xi32, #tpu.memory_space<vmem>>, vector<16xi32>,
    %swap3A_23 = vector.shape_cast %swap3A_22 : vector<16xi32> to vector<16xi32>
    %swap3A_24 = vector.shape_cast %scan3A_19#0 : vector<16xi32> to vector<16xi32>
    tpu.vector_store %arg9[%swap3A_21], %swap3A_24 {strides = array<i32>} : memref<48xi32, #tpu.memory_space<vmem>>, vector<16xi32>,
    %swap3A_25 = arith.constant 16 : index
    %swap3A_26 = tpu.vector_load %arg9[%swap3A_25] {strides = array<i32>} : memref<48xi32, #tpu.memory_space<vmem>>, vector<16xi32>,
    %swap3A_27 = vector.shape_cast %swap3A_26 : vector<16xi32> to vector<16xi32>
    %swap3A_28 = vector.shape_cast %scan3A_19#1 : vector<16xi32> to vector<16xi32>
    tpu.vector_store %arg9[%swap3A_25], %swap3A_28 {strides = array<i32>} : memref<48xi32, #tpu.memory_space<vmem>>, vector<16xi32>,
    %get3A = arith.constant 0 : index
    %get3A_29 = tpu.vector_load %arg9[%get3A] {strides = array<i32>} : memref<48xi32, #tpu.memory_space<vmem>>, vector<16xi32>,
    %get3A_30 = vector.shape_cast %get3A_29 : vector<16xi32> to vector<16xi32>
    %slice3A = vector.extract_strided_slice %get3A_30 {offsets = [0], sizes = [1], strides = [1]} : vector<16xi32> to vector<1xi32>
    %squeeze3A = vector.extract %slice3A[0] : i32 from vector<1xi32>
    %get3A_31 = arith.constant 16 : index
    %get3A_32 = tpu.vector_load %arg9[%get3A_31] {strides = array<i32>} : memref<48xi32, #tpu.memory_space<vmem>>, vector<16xi32>,
    %get3A_33 = vector.shape_cast %get3A_32 : vector<16xi32> to vector<16xi32>
    %slice3A_34 = vector.extract_strided_slice %get3A_33 {offsets = [0], sizes = [1], strides = [1]} : vector<16xi32> to vector<1xi32>
    %squeeze3A_35 = vector.extract %slice3A_34[0] : i32 from vector<1xi32>
    %jit3A = arith.constant 8 : i32
    %div3A = arith.divsi %squeeze3A, %jit3A : i32
    %sign3A = arith.constant 0 : i32
    %sign3A_36 = arith.cmpi sgt, %squeeze3A, %sign3A : i32
    %sign3A_37 = arith.extui %sign3A_36 : i1 to i32
    %sign3A_38 = arith.constant 0 : i32
    %sign3A_39 = arith.cmpi slt, %squeeze3A, %sign3A_38 : i32
    %sign3A_40 = arith.extui %sign3A_39 : i1 to i32
    %sign3A_41 = arith.subi %sign3A_37, %sign3A_40 : i32
    %sign3A_42 = arith.constant 0 : i32
    %sign3A_43 = arith.cmpi sgt, %jit3A, %sign3A_42 : i32
    %sign3A_44 = arith.extui %sign3A_43 : i1 to i32
    %sign3A_45 = arith.constant 0 : i32
    %sign3A_46 = arith.cmpi slt, %jit3A, %sign3A_45 : i32
    %sign3A_47 = arith.extui %sign3A_46 : i1 to i32
    %sign3A_48 = arith.subi %sign3A_44, %sign3A_47 : i32
    %ne3A = arith.cmpi ne, %sign3A_41, %sign3A_48 : i32
    %rem3A = arith.remsi %squeeze3A, %jit3A : i32
    %ne3A_49 = arith.constant 0 : i32
    %ne3A_50 = arith.cmpi ne, %rem3A, %ne3A_49 : i32
    %and3A = arith.andi %ne3A, %ne3A_50 : i1
    %sub3A = arith.constant 1 : i32
    %sub3A_51 = arith.subi %div3A, %sub3A : i32
    %select_n3A = arith.select %and3A, %sub3A_51, %div3A : i32
    %mul3A_52 = arith.constant 8 : i32
    %mul3A_53 = arith.muli %select_n3A, %mul3A_52 : i32
    %multiple_of3A = tpu.assume_multiple %mul3A_53, 8 : i32
    %sub3A_54 = arith.subi %squeeze3A_35, %multiple_of3A : i32
    %add3A_55 = arith.constant 256 : i32
    %add3A_56 = arith.addi %sub3A_54, %add3A_55 : i32
    %sub3A_57 = arith.constant 1 : i32
    %sub3A_58 = arith.subi %add3A_56, %sub3A_57 : i32
    %jit3A_59 = arith.constant 256 : i32
    %div3A_60 = arith.divsi %sub3A_58, %jit3A_59 : i32
    %sign3A_61 = arith.constant 0 : i32
    %sign3A_62 = arith.cmpi sgt, %sub3A_58, %sign3A_61 : i32
    %sign3A_63 = arith.extui %sign3A_62 : i1 to i32
    %sign3A_64 = arith.constant 0 : i32
    %sign3A_65 = arith.cmpi slt, %sub3A_58, %sign3A_64 : i32
    %sign3A_66 = arith.extui %sign3A_65 : i1 to i32
    %sign3A_67 = arith.subi %sign3A_63, %sign3A_66 : i32
    %sign3A_68 = arith.constant 0 : i32
    %sign3A_69 = arith.cmpi sgt, %jit3A_59, %sign3A_68 : i32
    %sign3A_70 = arith.extui %sign3A_69 : i1 to i32
    %sign3A_71 = arith.constant 0 : i32
    %sign3A_72 = arith.cmpi slt, %jit3A_59, %sign3A_71 : i32
    %sign3A_73 = arith.extui %sign3A_72 : i1 to i32
    %sign3A_74 = arith.subi %sign3A_70, %sign3A_73 : i32
    %ne3A_75 = arith.cmpi ne, %sign3A_67, %sign3A_74 : i32
    %rem3A_76 = arith.remsi %sub3A_58, %jit3A_59 : i32
    %ne3A_77 = arith.constant 0 : i32
    %ne3A_78 = arith.cmpi ne, %rem3A_76, %ne3A_77 : i32
    %and3A_79 = arith.andi %ne3A_75, %ne3A_78 : i1
    %sub3A_80 = arith.constant 1 : i32
    %sub3A_81 = arith.subi %div3A_60, %sub3A_80 : i32
    %select_n3A_82 = arith.select %and3A_79, %sub3A_81, %div3A_60 : i32
    %while3A = arith.constant 0 : i32
    %while3A_83 = arith.constant 0 : i32
    %while3A_84 = arith.subi %select_n3A_82, %while3A : i32
    %while3A_85 = arith.addi %while3A, %while3A_84 : i32
    %while3A_86 = arith.constant 1 : i32
    %while3A_87 = arith.divsi %while3A_84, %while3A_86 : i32
    %while3A_88 = arith.muli %while3A_87, %while3A_86 : i32
    %while3A_89 = arith.addi %while3A, %while3A_88 : i32
    %while3A_90 = arith.constant 1 : i32
    %while3A_91 = scf.for %while3A_105 = %while3A to %while3A_89 step %while3A_90 iter_args(%while3A_106 = %while3A_83) -> (i32)  : i32 {
      %mul3A_107 = arith.constant 256 : i32
      %mul3A_108 = arith.muli %while3A_105, %mul3A_107 : i32
      %add3A_109 = arith.addi %multiple_of3A, %mul3A_108 : i32
      %min3A = arith.constant 49744 : i32
      %min3A_110 = arith.minsi %add3A_109, %min3A : i32
      %multiple_of3A_111 = tpu.assume_multiple %min3A_110, 8 : i32
      "tpu.region"() ({
        %run_scoped3A = tpu.sem_alloc : memref<!tpu.dma_semaphore, #tpu.memory_space<semaphore_mem>>
        %dma_start3A = arith.constant 0 : i32
        %dma_start3A_120 = tpu.memref_slice %arg2[%multiple_of3A_111, %dma_start3A] : memref<50000x256xf32, #tpu.memory_space<hbm>> -> memref<256x256xf32, #tpu.memory_space<hbm>>
        %dma_start3A_121 = arith.constant 0 : i32
        %dma_start3A_122 = tpu.memref_slice %arg2[%multiple_of3A_111, %dma_start3A_121] : memref<50000x256xf32, #tpu.memory_space<hbm>> -> memref<256x256xf32, #tpu.memory_space<hbm>>
        tpu.enqueue_dma source(%dma_start3A_122 : memref<256x256xf32, #tpu.memory_space<hbm>>) target(%arg6 : memref<256x256xf32, #tpu.memory_space<vmem>>) target_semaphore(%run_scoped3A : memref<!tpu.dma_semaphore, #tpu.memory_space<semaphore_mem>>)
        %dma_wait3A = arith.constant 0 : i32
        %dma_wait3A_123 = tpu.memref_slice %arg2[%multiple_of3A_111, %dma_wait3A] : memref<50000x256xf32, #tpu.memory_space<hbm>> -> memref<256x256xf32, #tpu.memory_space<hbm>>
        %dma_wait3A_124 = arith.constant 0 : i32
        %dma_wait3A_125 = tpu.memref_slice %arg2[%multiple_of3A_111, %dma_wait3A_124] : memref<50000x256xf32, #tpu.memory_space<hbm>> -> memref<256x256xf32, #tpu.memory_space<hbm>>
        tpu.wait_dma2 semaphore(%run_scoped3A : memref<!tpu.dma_semaphore, #tpu.memory_space<semaphore_mem>>) src(%dma_wait3A_125 : memref<256x256xf32, #tpu.memory_space<hbm>>) dst(%arg6 : memref<256x256xf32, #tpu.memory_space<vmem>>)
        tpu.yield
      }) : () -> ()
      %scan3A_112 = arith.constant 0 : i32
      %scan3A_113 = arith.constant 0 : i32
      %scan3A_114 = arith.constant 16 : i32
      %scan3A_115 = arith.addi %scan3A_113, %scan3A_114 : i32
      %scan3A_116 = arith.constant 1 : i32
      %scan3A_117 = scf.for %scan3A_120 = %scan3A_113 to %scan3A_115 step %scan3A_116 iter_args(%scan3A_121 = %scan3A_112) -> (i32)  : i32 {
        %get3A_122 = arith.index_cast %scan3A_120 : i32 to index
        %get3A_123 = tpu.vector_load %arg9[%get3A_122] {strides = array<i32>} : memref<48xi32, #tpu.memory_space<vmem>>, vector<16xi32>,
        %get3A_124 = vector.shape_cast %get3A_123 : vector<16xi32> to vector<16xi32>
        %slice3A_125 = vector.extract_strided_slice %get3A_124 {offsets = [0], sizes = [1], strides = [1]} : vector<16xi32> to vector<1xi32>
        %squeeze3A_126 = vector.extract %slice3A_125[0] : i32 from vector<1xi32>
        %add3A_127 = arith.constant 1 : i32
        %add3A_128 = arith.addi %scan3A_120, %add3A_127 : i32
        %get3A_129 = arith.index_cast %add3A_128 : i32 to index
        %get3A_130 = tpu.vector_load %arg9[%get3A_129] {strides = array<i32>} : memref<48xi32, #tpu.memory_space<vmem>>, vector<16xi32>,
        %get3A_131 = vector.shape_cast %get3A_130 : vector<16xi32> to vector<16xi32>
        %slice3A_132 = vector.extract_strided_slice %get3A_131 {offsets = [0], sizes = [1], strides = [1]} : vector<16xi32> to vector<1xi32>
        %squeeze3A_133 = vector.extract %slice3A_132[0] : i32 from vector<1xi32>
        %max3A = arith.maxsi %squeeze3A_126, %add3A_109 : i32
        %sub3A_134 = arith.subi %max3A, %multiple_of3A_111 : i32
        %add3A_135 = arith.constant 256 : i32
        %add3A_136 = arith.addi %add3A_109, %add3A_135 : i32
        %min3A_137 = arith.minsi %squeeze3A_133, %add3A_136 : i32
        %sub3A_138 = arith.subi %min3A_137, %multiple_of3A_111 : i32
        %broadcast_in_dim3A_139 = arith.constant 0.000000e+00 : f32
        %broadcast_in_dim3A_140 = vector.broadcast %broadcast_in_dim3A_139 : f32 to vector<16xf32>
        %broadcast_in_dim3A_141 = arith.constant 0.000000e+00 : f32
        %broadcast_in_dim3A_142 = vector.broadcast %broadcast_in_dim3A_141 : f32 to vector<16xf32>
        %broadcast_in_dim3A_143 = arith.constant 0.000000e+00 : f32
        %broadcast_in_dim3A_144 = vector.broadcast %broadcast_in_dim3A_143 : f32 to vector<16xf32>
        %broadcast_in_dim3A_145 = arith.constant 0.000000e+00 : f32
        %broadcast_in_dim3A_146 = vector.broadcast %broadcast_in_dim3A_145 : f32 to vector<16xf32>
        %broadcast_in_dim3A_147 = arith.constant 0.000000e+00 : f32
        %broadcast_in_dim3A_148 = vector.broadcast %broadcast_in_dim3A_147 : f32 to vector<16xf32>
        %broadcast_in_dim3A_149 = arith.constant 0.000000e+00 : f32
        %broadcast_in_dim3A_150 = vector.broadcast %broadcast_in_dim3A_149 : f32 to vector<16xf32>
        %broadcast_in_dim3A_151 = arith.constant 0.000000e+00 : f32
        %broadcast_in_dim3A_152 = vector.broadcast %broadcast_in_dim3A_151 : f32 to vector<16xf32>
        %broadcast_in_dim3A_153 = arith.constant 0.000000e+00 : f32
        %broadcast_in_dim3A_154 = vector.broadcast %broadcast_in_dim3A_153 : f32 to vector<16xf32>
        %broadcast_in_dim3A_155 = arith.constant 0.000000e+00 : f32
        %broadcast_in_dim3A_156 = vector.broadcast %broadcast_in_dim3A_155 : f32 to vector<16xf32>
        %broadcast_in_dim3A_157 = arith.constant 0.000000e+00 : f32
        %broadcast_in_dim3A_158 = vector.broadcast %broadcast_in_dim3A_157 : f32 to vector<16xf32>
        %broadcast_in_dim3A_159 = arith.constant 0.000000e+00 : f32
        %broadcast_in_dim3A_160 = vector.broadcast %broadcast_in_dim3A_159 : f32 to vector<16xf32>
        %broadcast_in_dim3A_161 = arith.constant 0.000000e+00 : f32
        %broadcast_in_dim3A_162 = vector.broadcast %broadcast_in_dim3A_161 : f32 to vector<16xf32>
        %broadcast_in_dim3A_163 = arith.constant 0.000000e+00 : f32
        %broadcast_in_dim3A_164 = vector.broadcast %broadcast_in_dim3A_163 : f32 to vector<16xf32>
        %broadcast_in_dim3A_165 = arith.constant 0.000000e+00 : f32
        %broadcast_in_dim3A_166 = vector.broadcast %broadcast_in_dim3A_165 : f32 to vector<16xf32>
        %broadcast_in_dim3A_167 = arith.constant 0.000000e+00 : f32
        %broadcast_in_dim3A_168 = vector.broadcast %broadcast_in_dim3A_167 : f32 to vector<16xf32>
        %broadcast_in_dim3A_169 = arith.constant 0.000000e+00 : f32
        %broadcast_in_dim3A_170 = vector.broadcast %broadcast_in_dim3A_169 : f32 to vector<16xf32>
        %while3A_171 = arith.subi %sub3A_138, %sub3A_134 : i32
        %while3A_172 = arith.addi %sub3A_134, %while3A_171 : i32
        %while3A_173 = arith.constant 1 : i32
        %while3A_174 = arith.divsi %while3A_171, %while3A_173 : i32
        %while3A_175 = arith.muli %while3A_174, %while3A_173 : i32
        %while3A_176 = arith.addi %sub3A_134, %while3A_175 : i32
        %while3A_177 = arith.constant 1 : i32
        %while3A_178:16 = scf.for %while3A_183 = %sub3A_134 to %while3A_176 step %while3A_177 iter_args(%while3A_184 = %broadcast_in_dim3A_140, %while3A_185 = %broadcast_in_dim3A_142, %while3A_186 = %broadcast_in_dim3A_144, %while3A_187 = %broadcast_in_dim3A_146, %while3A_188 = %broadcast_in_dim3A_148, %while3A_189 = %broadcast_in_dim3A_150, %while3A_190 = %broadcast_in_dim3A_152, %while3A_191 = %broadcast_in_dim3A_154, %while3A_192 = %broadcast_in_dim3A_156, %while3A_193 = %broadcast_in_dim3A_158, %while3A_194 = %broadcast_in_dim3A_160, %while3A_195 = %broadcast_in_dim3A_162, %while3A_196 = %broadcast_in_dim3A_164, %while3A_197 = %broadcast_in_dim3A_166, %while3A_198 = %broadcast_in_dim3A_168, %while3A_199 = %broadcast_in_dim3A_170) -> (vector<16xf32>, vector<16xf32>, vector<16xf32>, vector<16xf32>, vector<16xf32>, vector<16xf32>, vector<16xf32>, vector<16xf32>, vector<16xf32>, vector<16xf32>, vector<16xf32>, vector<16xf32>, vector<16xf32>, vector<16xf32>, vector<16xf32>, vector<16xf32>)  : i32 {
          %get3A_200 = arith.index_cast %while3A_183 : i32 to index
          %get3A_201 = arith.constant 0 : index
          %get3A_202 = tpu.vector_load %arg6[%get3A_200, %get3A_201] {strides = array<i32>} : memref<256x256xf32, #tpu.memory_space<vmem>>, vector<1x16xf32>,
          %get3A_203 = vector.shape_cast %get3A_202 : vector<1x16xf32> to vector<16xf32>
          %add3A_204 = arith.addf %while3A_184, %get3A_203 : vector<16xf32>
          %get3A_205 = arith.index_cast %while3A_183 : i32 to index
          %get3A_206 = arith.constant 16 : index
          %get3A_207 = tpu.vector_load %arg6[%get3A_205, %get3A_206] {strides = array<i32>} : memref<256x256xf32, #tpu.memory_space<vmem>>, vector<1x16xf32>,
          %get3A_208 = vector.shape_cast %get3A_207 : vector<1x16xf32> to vector<16xf32>
          %add3A_209 = arith.addf %while3A_185, %get3A_208 : vector<16xf32>
          %get3A_210 = arith.index_cast %while3A_183 : i32 to index
          %get3A_211 = arith.constant 32 : index
          %get3A_212 = tpu.vector_load %arg6[%get3A_210, %get3A_211] {strides = array<i32>} : memref<256x256xf32, #tpu.memory_space<vmem>>, vector<1x16xf32>,
          %get3A_213 = vector.shape_cast %get3A_212 : vector<1x16xf32> to vector<16xf32>
          %add3A_214 = arith.addf %while3A_186, %get3A_213 : vector<16xf32>
          %get3A_215 = arith.index_cast %while3A_183 : i32 to index
          %get3A_216 = arith.constant 48 : index
          %get3A_217 = tpu.vector_load %arg6[%get3A_215, %get3A_216] {strides = array<i32>} : memref<256x256xf32, #tpu.memory_space<vmem>>, vector<1x16xf32>,
          %get3A_218 = vector.shape_cast %get3A_217 : vector<1x16xf32> to vector<16xf32>
          %add3A_219 = arith.addf %while3A_187, %get3A_218 : vector<16xf32>
          %get3A_220 = arith.index_cast %while3A_183 : i32 to index
          %get3A_221 = arith.constant 64 : index
          %get3A_222 = tpu.vector_load %arg6[%get3A_220, %get3A_221] {strides = array<i32>} : memref<256x256xf32, #tpu.memory_space<vmem>>, vector<1x16xf32>,
          %get3A_223 = vector.shape_cast %get3A_222 : vector<1x16xf32> to vector<16xf32>
          %add3A_224 = arith.addf %while3A_188, %get3A_223 : vector<16xf32>
          %get3A_225 = arith.index_cast %while3A_183 : i32 to index
          %get3A_226 = arith.constant 80 : index
          %get3A_227 = tpu.vector_load %arg6[%get3A_225, %get3A_226] {strides = array<i32>} : memref<256x256xf32, #tpu.memory_space<vmem>>, vector<1x16xf32>,
          %get3A_228 = vector.shape_cast %get3A_227 : vector<1x16xf32> to vector<16xf32>
          %add3A_229 = arith.addf %while3A_189, %get3A_228 : vector<16xf32>
          %get3A_230 = arith.index_cast %while3A_183 : i32 to index
          %get3A_231 = arith.constant 96 : index
          %get3A_232 = tpu.vector_load %arg6[%get3A_230, %get3A_231] {strides = array<i32>} : memref<256x256xf32, #tpu.memory_space<vmem>>, vector<1x16xf32>,
          %get3A_233 = vector.shape_cast %get3A_232 : vector<1x16xf32> to vector<16xf32>
          %add3A_234 = arith.addf %while3A_190, %get3A_233 : vector<16xf32>
          %get3A_235 = arith.index_cast %while3A_183 : i32 to index
          %get3A_236 = arith.constant 112 : index
          %get3A_237 = tpu.vector_load %arg6[%get3A_235, %get3A_236] {strides = array<i32>} : memref<256x256xf32, #tpu.memory_space<vmem>>, vector<1x16xf32>,
          %get3A_238 = vector.shape_cast %get3A_237 : vector<1x16xf32> to vector<16xf32>
          %add3A_239 = arith.addf %while3A_191, %get3A_238 : vector<16xf32>
          %get3A_240 = arith.index_cast %while3A_183 : i32 to index
          %get3A_241 = arith.constant 128 : index
          %get3A_242 = tpu.vector_load %arg6[%get3A_240, %get3A_241] {strides = array<i32>} : memref<256x256xf32, #tpu.memory_space<vmem>>, vector<1x16xf32>,
          %get3A_243 = vector.shape_cast %get3A_242 : vector<1x16xf32> to vector<16xf32>
          %add3A_244 = arith.addf %while3A_192, %get3A_243 : vector<16xf32>
          %get3A_245 = arith.index_cast %while3A_183 : i32 to index
          %get3A_246 = arith.constant 144 : index
          %get3A_247 = tpu.vector_load %arg6[%get3A_245, %get3A_246] {strides = array<i32>} : memref<256x256xf32, #tpu.memory_space<vmem>>, vector<1x16xf32>,
          %get3A_248 = vector.shape_cast %get3A_247 : vector<1x16xf32> to vector<16xf32>
          %add3A_249 = arith.addf %while3A_193, %get3A_248 : vector<16xf32>
          %get3A_250 = arith.index_cast %while3A_183 : i32 to index
          %get3A_251 = arith.constant 160 : index
          %get3A_252 = tpu.vector_load %arg6[%get3A_250, %get3A_251] {strides = array<i32>} : memref<256x256xf32, #tpu.memory_space<vmem>>, vector<1x16xf32>,
          %get3A_253 = vector.shape_cast %get3A_252 : vector<1x16xf32> to vector<16xf32>
          %add3A_254 = arith.addf %while3A_194, %get3A_253 : vector<16xf32>
          %get3A_255 = arith.index_cast %while3A_183 : i32 to index
          %get3A_256 = arith.constant 176 : index
          %get3A_257 = tpu.vector_load %arg6[%get3A_255, %get3A_256] {strides = array<i32>} : memref<256x256xf32, #tpu.memory_space<vmem>>, vector<1x16xf32>,
          %get3A_258 = vector.shape_cast %get3A_257 : vector<1x16xf32> to vector<16xf32>
          %add3A_259 = arith.addf %while3A_195, %get3A_258 : vector<16xf32>
          %get3A_260 = arith.index_cast %while3A_183 : i32 to index
          %get3A_261 = arith.constant 192 : index
          %get3A_262 = tpu.vector_load %arg6[%get3A_260, %get3A_261] {strides = array<i32>} : memref<256x256xf32, #tpu.memory_space<vmem>>, vector<1x16xf32>,
          %get3A_263 = vector.shape_cast %get3A_262 : vector<1x16xf32> to vector<16xf32>
          %add3A_264 = arith.addf %while3A_196, %get3A_263 : vector<16xf32>
          %get3A_265 = arith.index_cast %while3A_183 : i32 to index
          %get3A_266 = arith.constant 208 : index
          %get3A_267 = tpu.vector_load %arg6[%get3A_265, %get3A_266] {strides = array<i32>} : memref<256x256xf32, #tpu.memory_space<vmem>>, vector<1x16xf32>,
          %get3A_268 = vector.shape_cast %get3A_267 : vector<1x16xf32> to vector<16xf32>
          %add3A_269 = arith.addf %while3A_197, %get3A_268 : vector<16xf32>
          %get3A_270 = arith.index_cast %while3A_183 : i32 to index
          %get3A_271 = arith.constant 224 : index
          %get3A_272 = tpu.vector_load %arg6[%get3A_270, %get3A_271] {strides = array<i32>} : memref<256x256xf32, #tpu.memory_space<vmem>>, vector<1x16xf32>,
          %get3A_273 = vector.shape_cast %get3A_272 : vector<1x16xf32> to vector<16xf32>
          %add3A_274 = arith.addf %while3A_198, %get3A_273 : vector<16xf32>
          %get3A_275 = arith.index_cast %while3A_183 : i32 to index
          %get3A_276 = arith.constant 240 : index
          %get3A_277 = tpu.vector_load %arg6[%get3A_275, %get3A_276] {strides = array<i32>} : memref<256x256xf32, #tpu.memory_space<vmem>>, vector<1x16xf32>,
          %get3A_278 = vector.shape_cast %get3A_277 : vector<1x16xf32> to vector<16xf32>
          %add3A_279 = arith.addf %while3A_199, %get3A_278 : vector<16xf32>
          scf.yield %add3A_204, %add3A_209, %add3A_214, %add3A_219, %add3A_224, %add3A_229, %add3A_234, %add3A_239, %add3A_244, %add3A_249, %add3A_254, %add3A_259, %add3A_264, %add3A_269, %add3A_274, %add3A_279 : vector<16xf32>, vector<16xf32>, vector<16xf32>, vector<16xf32>, vector<16xf32>, vector<16xf32>, vector<16xf32>, vector<16xf32>, vector<16xf32>, vector<16xf32>, vector<16xf32>, vector<16xf32>, vector<16xf32>, vector<16xf32>, vector<16xf32>, vector<16xf32>
        }
        %while3A_179 = arith.constant 1 : i32
        %while3A_180:16 = scf.for %while3A_183 = %while3A_176 to %while3A_172 step %while3A_179 iter_args(%while3A_184 = %while3A_178#0, %while3A_185 = %while3A_178#1, %while3A_186 = %while3A_178#2, %while3A_187 = %while3A_178#3, %while3A_188 = %while3A_178#4, %while3A_189 = %while3A_178#5, %while3A_190 = %while3A_178#6, %while3A_191 = %while3A_178#7, %while3A_192 = %while3A_178#8, %while3A_193 = %while3A_178#9, %while3A_194 = %while3A_178#10, %while3A_195 = %while3A_178#11, %while3A_196 = %while3A_178#12, %while3A_197 = %while3A_178#13, %while3A_198 = %while3A_178#14, %while3A_199 = %while3A_178#15) -> (vector<16xf32>, vector<16xf32>, vector<16xf32>, vector<16xf32>, vector<16xf32>, vector<16xf32>, vector<16xf32>, vector<16xf32>, vector<16xf32>, vector<16xf32>, vector<16xf32>, vector<16xf32>, vector<16xf32>, vector<16xf32>, vector<16xf32>, vector<16xf32>)  : i32 {
          %get3A_200 = arith.index_cast %while3A_183 : i32 to index
          %get3A_201 = arith.constant 0 : index
          %get3A_202 = tpu.vector_load %arg6[%get3A_200, %get3A_201] {strides = array<i32>} : memref<256x256xf32, #tpu.memory_space<vmem>>, vector<1x16xf32>,
          %get3A_203 = vector.shape_cast %get3A_202 : vector<1x16xf32> to vector<16xf32>
          %add3A_204 = arith.addf %while3A_184, %get3A_203 : vector<16xf32>
          %get3A_205 = arith.index_cast %while3A_183 : i32 to index
          %get3A_206 = arith.constant 16 : index
          %get3A_207 = tpu.vector_load %arg6[%get3A_205, %get3A_206] {strides = array<i32>} : memref<256x256xf32, #tpu.memory_space<vmem>>, vector<1x16xf32>,
          %get3A_208 = vector.shape_cast %get3A_207 : vector<1x16xf32> to vector<16xf32>
          %add3A_209 = arith.addf %while3A_185, %get3A_208 : vector<16xf32>
          %get3A_210 = arith.index_cast %while3A_183 : i32 to index
          %get3A_211 = arith.constant 32 : index
          %get3A_212 = tpu.vector_load %arg6[%get3A_210, %get3A_211] {strides = array<i32>} : memref<256x256xf32, #tpu.memory_space<vmem>>, vector<1x16xf32>,
          %get3A_213 = vector.shape_cast %get3A_212 : vector<1x16xf32> to vector<16xf32>
          %add3A_214 = arith.addf %while3A_186, %get3A_213 : vector<16xf32>
          %get3A_215 = arith.index_cast %while3A_183 : i32 to index
          %get3A_216 = arith.constant 48 : index
          %get3A_217 = tpu.vector_load %arg6[%get3A_215, %get3A_216] {strides = array<i32>} : memref<256x256xf32, #tpu.memory_space<vmem>>, vector<1x16xf32>,
          %get3A_218 = vector.shape_cast %get3A_217 : vector<1x16xf32> to vector<16xf32>
          %add3A_219 = arith.addf %while3A_187, %get3A_218 : vector<16xf32>
          %get3A_220 = arith.index_cast %while3A_183 : i32 to index
          %get3A_221 = arith.constant 64 : index
          %get3A_222 = tpu.vector_load %arg6[%get3A_220, %get3A_221] {strides = array<i32>} : memref<256x256xf32, #tpu.memory_space<vmem>>, vector<1x16xf32>,
          %get3A_223 = vector.shape_cast %get3A_222 : vector<1x16xf32> to vector<16xf32>
          %add3A_224 = arith.addf %while3A_188, %get3A_223 : vector<16xf32>
          %get3A_225 = arith.index_cast %while3A_183 : i32 to index
          %get3A_226 = arith.constant 80 : index
          %get3A_227 = tpu.vector_load %arg6[%get3A_225, %get3A_226] {strides = array<i32>} : memref<256x256xf32, #tpu.memory_space<vmem>>, vector<1x16xf32>,
          %get3A_228 = vector.shape_cast %get3A_227 : vector<1x16xf32> to vector<16xf32>
          %add3A_229 = arith.addf %while3A_189, %get3A_228 : vector<16xf32>
          %get3A_230 = arith.index_cast %while3A_183 : i32 to index
          %get3A_231 = arith.constant 96 : index
          %get3A_232 = tpu.vector_load %arg6[%get3A_230, %get3A_231] {strides = array<i32>} : memref<256x256xf32, #tpu.memory_space<vmem>>, vector<1x16xf32>,
          %get3A_233 = vector.shape_cast %get3A_232 : vector<1x16xf32> to vector<16xf32>
          %add3A_234 = arith.addf %while3A_190, %get3A_233 : vector<16xf32>
          %get3A_235 = arith.index_cast %while3A_183 : i32 to index
          %get3A_236 = arith.constant 112 : index
          %get3A_237 = tpu.vector_load %arg6[%get3A_235, %get3A_236] {strides = array<i32>} : memref<256x256xf32, #tpu.memory_space<vmem>>, vector<1x16xf32>,
          %get3A_238 = vector.shape_cast %get3A_237 : vector<1x16xf32> to vector<16xf32>
          %add3A_239 = arith.addf %while3A_191, %get3A_238 : vector<16xf32>
          %get3A_240 = arith.index_cast %while3A_183 : i32 to index
          %get3A_241 = arith.constant 128 : index
          %get3A_242 = tpu.vector_load %arg6[%get3A_240, %get3A_241] {strides = array<i32>} : memref<256x256xf32, #tpu.memory_space<vmem>>, vector<1x16xf32>,
          %get3A_243 = vector.shape_cast %get3A_242 : vector<1x16xf32> to vector<16xf32>
          %add3A_244 = arith.addf %while3A_192, %get3A_243 : vector<16xf32>
          %get3A_245 = arith.index_cast %while3A_183 : i32 to index
          %get3A_246 = arith.constant 144 : index
          %get3A_247 = tpu.vector_load %arg6[%get3A_245, %get3A_246] {strides = array<i32>} : memref<256x256xf32, #tpu.memory_space<vmem>>, vector<1x16xf32>,
          %get3A_248 = vector.shape_cast %get3A_247 : vector<1x16xf32> to vector<16xf32>
          %add3A_249 = arith.addf %while3A_193, %get3A_248 : vector<16xf32>
          %get3A_250 = arith.index_cast %while3A_183 : i32 to index
          %get3A_251 = arith.constant 160 : index
          %get3A_252 = tpu.vector_load %arg6[%get3A_250, %get3A_251] {strides = array<i32>} : memref<256x256xf32, #tpu.memory_space<vmem>>, vector<1x16xf32>,
          %get3A_253 = vector.shape_cast %get3A_252 : vector<1x16xf32> to vector<16xf32>
          %add3A_254 = arith.addf %while3A_194, %get3A_253 : vector<16xf32>
          %get3A_255 = arith.index_cast %while3A_183 : i32 to index
          %get3A_256 = arith.constant 176 : index
          %get3A_257 = tpu.vector_load %arg6[%get3A_255, %get3A_256] {strides = array<i32>} : memref<256x256xf32, #tpu.memory_space<vmem>>, vector<1x16xf32>,
          %get3A_258 = vector.shape_cast %get3A_257 : vector<1x16xf32> to vector<16xf32>
          %add3A_259 = arith.addf %while3A_195, %get3A_258 : vector<16xf32>
          %get3A_260 = arith.index_cast %while3A_183 : i32 to index
          %get3A_261 = arith.constant 192 : index
          %get3A_262 = tpu.vector_load %arg6[%get3A_260, %get3A_261] {strides = array<i32>} : memref<256x256xf32, #tpu.memory_space<vmem>>, vector<1x16xf32>,
          %get3A_263 = vector.shape_cast %get3A_262 : vector<1x16xf32> to vector<16xf32>
          %add3A_264 = arith.addf %while3A_196, %get3A_263 : vector<16xf32>
          %get3A_265 = arith.index_cast %while3A_183 : i32 to index
          %get3A_266 = arith.constant 208 : index
          %get3A_267 = tpu.vector_load %arg6[%get3A_265, %get3A_266] {strides = array<i32>} : memref<256x256xf32, #tpu.memory_space<vmem>>, vector<1x16xf32>,
          %get3A_268 = vector.shape_cast %get3A_267 : vector<1x16xf32> to vector<16xf32>
          %add3A_269 = arith.addf %while3A_197, %get3A_268 : vector<16xf32>
          %get3A_270 = arith.index_cast %while3A_183 : i32 to index
          %get3A_271 = arith.constant 224 : index
          %get3A_272 = tpu.vector_load %arg6[%get3A_270, %get3A_271] {strides = array<i32>} : memref<256x256xf32, #tpu.memory_space<vmem>>, vector<1x16xf32>,
          %get3A_273 = vector.shape_cast %get3A_272 : vector<1x16xf32> to vector<16xf32>
          %add3A_274 = arith.addf %while3A_198, %get3A_273 : vector<16xf32>
          %get3A_275 = arith.index_cast %while3A_183 : i32 to index
          %get3A_276 = arith.constant 240 : index
          %get3A_277 = tpu.vector_load %arg6[%get3A_275, %get3A_276] {strides = array<i32>} : memref<256x256xf32, #tpu.memory_space<vmem>>, vector<1x16xf32>,
          %get3A_278 = vector.shape_cast %get3A_277 : vector<1x16xf32> to vector<16xf32>
          %add3A_279 = arith.addf %while3A_199, %get3A_278 : vector<16xf32>
          scf.yield %add3A_204, %add3A_209, %add3A_214, %add3A_219, %add3A_224, %add3A_229, %add3A_234, %add3A_239, %add3A_244, %add3A_249, %add3A_254, %add3A_259, %add3A_264, %add3A_269, %add3A_274, %add3A_279 : vector<16xf32>, vector<16xf32>, vector<16xf32>, vector<16xf32>, vector<16xf32>, vector<16xf32>, vector<16xf32>, vector<16xf32>, vector<16xf32>, vector<16xf32>, vector<16xf32>, vector<16xf32>, vector<16xf32>, vector<16xf32>, vector<16xf32>, vector<16xf32>
        }
        %gt3A = arith.cmpi sgt, %sub3A_138, %sub3A_134 : i32
        %convert_element_type3A = arith.extui %gt3A : i1 to i32
        %cond3A = arith.constant 0 : i32
        %cond3A_181 = arith.cmpi ne, %convert_element_type3A, %cond3A : i32
        scf.if %cond3A_181 {
          %swap3A_183 = arith.index_cast %scan3A_120 : i32 to index
          %swap3A_184 = arith.constant 0 : index
          %swap3A_185 = tpu.vector_load %arg7[%swap3A_183, %swap3A_184] {strides = array<i32>} : memref<16x256xf32, #tpu.memory_space<vmem>>, vector<1x16xf32>,
          %swap3A_186 = vector.shape_cast %swap3A_185 : vector<1x16xf32> to vector<16xf32>
          %swap3A_187 = vector.shape_cast %while3A_180#0 : vector<16xf32> to vector<1x16xf32>
          tpu.vector_store %arg7[%swap3A_183, %swap3A_184], %swap3A_187 {add = true, strides = array<i32>} : memref<16x256xf32, #tpu.memory_space<vmem>>, vector<1x16xf32>,
          %swap3A_188 = arith.index_cast %scan3A_120 : i32 to index
          %swap3A_189 = arith.constant 16 : index
          %swap3A_190 = tpu.vector_load %arg7[%swap3A_188, %swap3A_189] {strides = array<i32>} : memref<16x256xf32, #tpu.memory_space<vmem>>, vector<1x16xf32>,
          %swap3A_191 = vector.shape_cast %swap3A_190 : vector<1x16xf32> to vector<16xf32>
          %swap3A_192 = vector.shape_cast %while3A_180#1 : vector<16xf32> to vector<1x16xf32>
          tpu.vector_store %arg7[%swap3A_188, %swap3A_189], %swap3A_192 {add = true, strides = array<i32>} : memref<16x256xf32, #tpu.memory_space<vmem>>, vector<1x16xf32>,
          %swap3A_193 = arith.index_cast %scan3A_120 : i32 to index
          %swap3A_194 = arith.constant 32 : index
          %swap3A_195 = tpu.vector_load %arg7[%swap3A_193, %swap3A_194] {strides = array<i32>} : memref<16x256xf32, #tpu.memory_space<vmem>>, vector<1x16xf32>,
          %swap3A_196 = vector.shape_cast %swap3A_195 : vector<1x16xf32> to vector<16xf32>
          %swap3A_197 = vector.shape_cast %while3A_180#2 : vector<16xf32> to vector<1x16xf32>
          tpu.vector_store %arg7[%swap3A_193, %swap3A_194], %swap3A_197 {add = true, strides = array<i32>} : memref<16x256xf32, #tpu.memory_space<vmem>>, vector<1x16xf32>,
          %swap3A_198 = arith.index_cast %scan3A_120 : i32 to index
          %swap3A_199 = arith.constant 48 : index
          %swap3A_200 = tpu.vector_load %arg7[%swap3A_198, %swap3A_199] {strides = array<i32>} : memref<16x256xf32, #tpu.memory_space<vmem>>, vector<1x16xf32>,
          %swap3A_201 = vector.shape_cast %swap3A_200 : vector<1x16xf32> to vector<16xf32>
          %swap3A_202 = vector.shape_cast %while3A_180#3 : vector<16xf32> to vector<1x16xf32>
          tpu.vector_store %arg7[%swap3A_198, %swap3A_199], %swap3A_202 {add = true, strides = array<i32>} : memref<16x256xf32, #tpu.memory_space<vmem>>, vector<1x16xf32>,
          %swap3A_203 = arith.index_cast %scan3A_120 : i32 to index
          %swap3A_204 = arith.constant 64 : index
          %swap3A_205 = tpu.vector_load %arg7[%swap3A_203, %swap3A_204] {strides = array<i32>} : memref<16x256xf32, #tpu.memory_space<vmem>>, vector<1x16xf32>,
          %swap3A_206 = vector.shape_cast %swap3A_205 : vector<1x16xf32> to vector<16xf32>
          %swap3A_207 = vector.shape_cast %while3A_180#4 : vector<16xf32> to vector<1x16xf32>
          tpu.vector_store %arg7[%swap3A_203, %swap3A_204], %swap3A_207 {add = true, strides = array<i32>} : memref<16x256xf32, #tpu.memory_space<vmem>>, vector<1x16xf32>,
          %swap3A_208 = arith.index_cast %scan3A_120 : i32 to index
          %swap3A_209 = arith.constant 80 : index
          %swap3A_210 = tpu.vector_load %arg7[%swap3A_208, %swap3A_209] {strides = array<i32>} : memref<16x256xf32, #tpu.memory_space<vmem>>, vector<1x16xf32>,
          %swap3A_211 = vector.shape_cast %swap3A_210 : vector<1x16xf32> to vector<16xf32>
          %swap3A_212 = vector.shape_cast %while3A_180#5 : vector<16xf32> to vector<1x16xf32>
          tpu.vector_store %arg7[%swap3A_208, %swap3A_209], %swap3A_212 {add = true, strides = array<i32>} : memref<16x256xf32, #tpu.memory_space<vmem>>, vector<1x16xf32>,
          %swap3A_213 = arith.index_cast %scan3A_120 : i32 to index
          %swap3A_214 = arith.constant 96 : index
          %swap3A_215 = tpu.vector_load %arg7[%swap3A_213, %swap3A_214] {strides = array<i32>} : memref<16x256xf32, #tpu.memory_space<vmem>>, vector<1x16xf32>,
          %swap3A_216 = vector.shape_cast %swap3A_215 : vector<1x16xf32> to vector<16xf32>
          %swap3A_217 = vector.shape_cast %while3A_180#6 : vector<16xf32> to vector<1x16xf32>
          tpu.vector_store %arg7[%swap3A_213, %swap3A_214], %swap3A_217 {add = true, strides = array<i32>} : memref<16x256xf32, #tpu.memory_space<vmem>>, vector<1x16xf32>,
          %swap3A_218 = arith.index_cast %scan3A_120 : i32 to index
          %swap3A_219 = arith.constant 112 : index
          %swap3A_220 = tpu.vector_load %arg7[%swap3A_218, %swap3A_219] {strides = array<i32>} : memref<16x256xf32, #tpu.memory_space<vmem>>, vector<1x16xf32>,
          %swap3A_221 = vector.shape_cast %swap3A_220 : vector<1x16xf32> to vector<16xf32>
          %swap3A_222 = vector.shape_cast %while3A_180#7 : vector<16xf32> to vector<1x16xf32>
          tpu.vector_store %arg7[%swap3A_218, %swap3A_219], %swap3A_222 {add = true, strides = array<i32>} : memref<16x256xf32, #tpu.memory_space<vmem>>, vector<1x16xf32>,
          %swap3A_223 = arith.index_cast %scan3A_120 : i32 to index
          %swap3A_224 = arith.constant 128 : index
          %swap3A_225 = tpu.vector_load %arg7[%swap3A_223, %swap3A_224] {strides = array<i32>} : memref<16x256xf32, #tpu.memory_space<vmem>>, vector<1x16xf32>,
          %swap3A_226 = vector.shape_cast %swap3A_225 : vector<1x16xf32> to vector<16xf32>
          %swap3A_227 = vector.shape_cast %while3A_180#8 : vector<16xf32> to vector<1x16xf32>
          tpu.vector_store %arg7[%swap3A_223, %swap3A_224], %swap3A_227 {add = true, strides = array<i32>} : memref<16x256xf32, #tpu.memory_space<vmem>>, vector<1x16xf32>,
          %swap3A_228 = arith.index_cast %scan3A_120 : i32 to index
          %swap3A_229 = arith.constant 144 : index
          %swap3A_230 = tpu.vector_load %arg7[%swap3A_228, %swap3A_229] {strides = array<i32>} : memref<16x256xf32, #tpu.memory_space<vmem>>, vector<1x16xf32>,
          %swap3A_231 = vector.shape_cast %swap3A_230 : vector<1x16xf32> to vector<16xf32>
          %swap3A_232 = vector.shape_cast %while3A_180#9 : vector<16xf32> to vector<1x16xf32>
          tpu.vector_store %arg7[%swap3A_228, %swap3A_229], %swap3A_232 {add = true, strides = array<i32>} : memref<16x256xf32, #tpu.memory_space<vmem>>, vector<1x16xf32>,
          %swap3A_233 = arith.index_cast %scan3A_120 : i32 to index
          %swap3A_234 = arith.constant 160 : index
          %swap3A_235 = tpu.vector_load %arg7[%swap3A_233, %swap3A_234] {strides = array<i32>} : memref<16x256xf32, #tpu.memory_space<vmem>>, vector<1x16xf32>,
          %swap3A_236 = vector.shape_cast %swap3A_235 : vector<1x16xf32> to vector<16xf32>
          %swap3A_237 = vector.shape_cast %while3A_180#10 : vector<16xf32> to vector<1x16xf32>
          tpu.vector_store %arg7[%swap3A_233, %swap3A_234], %swap3A_237 {add = true, strides = array<i32>} : memref<16x256xf32, #tpu.memory_space<vmem>>, vector<1x16xf32>,
          %swap3A_238 = arith.index_cast %scan3A_120 : i32 to index
          %swap3A_239 = arith.constant 176 : index
          %swap3A_240 = tpu.vector_load %arg7[%swap3A_238, %swap3A_239] {strides = array<i32>} : memref<16x256xf32, #tpu.memory_space<vmem>>, vector<1x16xf32>,
          %swap3A_241 = vector.shape_cast %swap3A_240 : vector<1x16xf32> to vector<16xf32>
          %swap3A_242 = vector.shape_cast %while3A_180#11 : vector<16xf32> to vector<1x16xf32>
          tpu.vector_store %arg7[%swap3A_238, %swap3A_239], %swap3A_242 {add = true, strides = array<i32>} : memref<16x256xf32, #tpu.memory_space<vmem>>, vector<1x16xf32>,
          %swap3A_243 = arith.index_cast %scan3A_120 : i32 to index
          %swap3A_244 = arith.constant 192 : index
          %swap3A_245 = tpu.vector_load %arg7[%swap3A_243, %swap3A_244] {strides = array<i32>} : memref<16x256xf32, #tpu.memory_space<vmem>>, vector<1x16xf32>,
          %swap3A_246 = vector.shape_cast %swap3A_245 : vector<1x16xf32> to vector<16xf32>
          %swap3A_247 = vector.shape_cast %while3A_180#12 : vector<16xf32> to vector<1x16xf32>
          tpu.vector_store %arg7[%swap3A_243, %swap3A_244], %swap3A_247 {add = true, strides = array<i32>} : memref<16x256xf32, #tpu.memory_space<vmem>>, vector<1x16xf32>,
          %swap3A_248 = arith.index_cast %scan3A_120 : i32 to index
          %swap3A_249 = arith.constant 208 : index
          %swap3A_250 = tpu.vector_load %arg7[%swap3A_248, %swap3A_249] {strides = array<i32>} : memref<16x256xf32, #tpu.memory_space<vmem>>, vector<1x16xf32>,
          %swap3A_251 = vector.shape_cast %swap3A_250 : vector<1x16xf32> to vector<16xf32>
          %swap3A_252 = vector.shape_cast %while3A_180#13 : vector<16xf32> to vector<1x16xf32>
          tpu.vector_store %arg7[%swap3A_248, %swap3A_249], %swap3A_252 {add = true, strides = array<i32>} : memref<16x256xf32, #tpu.memory_space<vmem>>, vector<1x16xf32>,
          %swap3A_253 = arith.index_cast %scan3A_120 : i32 to index
          %swap3A_254 = arith.constant 224 : index
          %swap3A_255 = tpu.vector_load %arg7[%swap3A_253, %swap3A_254] {strides = array<i32>} : memref<16x256xf32, #tpu.memory_space<vmem>>, vector<1x16xf32>,
          %swap3A_256 = vector.shape_cast %swap3A_255 : vector<1x16xf32> to vector<16xf32>
          %swap3A_257 = vector.shape_cast %while3A_180#14 : vector<16xf32> to vector<1x16xf32>
          tpu.vector_store %arg7[%swap3A_253, %swap3A_254], %swap3A_257 {add = true, strides = array<i32>} : memref<16x256xf32, #tpu.memory_space<vmem>>, vector<1x16xf32>,
          %swap3A_258 = arith.index_cast %scan3A_120 : i32 to index
          %swap3A_259 = arith.constant 240 : index
          %swap3A_260 = tpu.vector_load %arg7[%swap3A_258, %swap3A_259] {strides = array<i32>} : memref<16x256xf32, #tpu.memory_space<vmem>>, vector<1x16xf32>,
          %swap3A_261 = vector.shape_cast %swap3A_260 : vector<1x16xf32> to vector<16xf32>
          %swap3A_262 = vector.shape_cast %while3A_180#15 : vector<16xf32> to vector<1x16xf32>
          tpu.vector_store %arg7[%swap3A_258, %swap3A_259], %swap3A_262 {add = true, strides = array<i32>} : memref<16x256xf32, #tpu.memory_space<vmem>>, vector<1x16xf32>,
        } else {
        }
        %scan3A_182 = arith.constant 0 : i32
        scf.yield %scan3A_182 : i32
      }
      %scan3A_118 = arith.constant 16 : i32
      %while3A_119 = arith.constant 0 : i32
      scf.yield %while3A_119 : i32
    }
    %while3A_92 = arith.constant 1 : i32
    %while3A_93 = scf.for %while3A_105 = %while3A_89 to %while3A_85 step %while3A_92 iter_args(%while3A_106 = %while3A_91) -> (i32)  : i32 {
      %mul3A_107 = arith.constant 256 : i32
      %mul3A_108 = arith.muli %while3A_105, %mul3A_107 : i32
      %add3A_109 = arith.addi %multiple_of3A, %mul3A_108 : i32
      %min3A = arith.constant 49744 : i32
      %min3A_110 = arith.minsi %add3A_109, %min3A : i32
      %multiple_of3A_111 = tpu.assume_multiple %min3A_110, 8 : i32
      "tpu.region"() ({
        %run_scoped3A = tpu.sem_alloc : memref<!tpu.dma_semaphore, #tpu.memory_space<semaphore_mem>>
        %dma_start3A = arith.constant 0 : i32
        %dma_start3A_120 = tpu.memref_slice %arg2[%multiple_of3A_111, %dma_start3A] : memref<50000x256xf32, #tpu.memory_space<hbm>> -> memref<256x256xf32, #tpu.memory_space<hbm>>
        %dma_start3A_121 = arith.constant 0 : i32
        %dma_start3A_122 = tpu.memref_slice %arg2[%multiple_of3A_111, %dma_start3A_121] : memref<50000x256xf32, #tpu.memory_space<hbm>> -> memref<256x256xf32, #tpu.memory_space<hbm>>
        tpu.enqueue_dma source(%dma_start3A_122 : memref<256x256xf32, #tpu.memory_space<hbm>>) target(%arg6 : memref<256x256xf32, #tpu.memory_space<vmem>>) target_semaphore(%run_scoped3A : memref<!tpu.dma_semaphore, #tpu.memory_space<semaphore_mem>>)
        %dma_wait3A = arith.constant 0 : i32
        %dma_wait3A_123 = tpu.memref_slice %arg2[%multiple_of3A_111, %dma_wait3A] : memref<50000x256xf32, #tpu.memory_space<hbm>> -> memref<256x256xf32, #tpu.memory_space<hbm>>
        %dma_wait3A_124 = arith.constant 0 : i32
        %dma_wait3A_125 = tpu.memref_slice %arg2[%multiple_of3A_111, %dma_wait3A_124] : memref<50000x256xf32, #tpu.memory_space<hbm>> -> memref<256x256xf32, #tpu.memory_space<hbm>>
        tpu.wait_dma2 semaphore(%run_scoped3A : memref<!tpu.dma_semaphore, #tpu.memory_space<semaphore_mem>>) src(%dma_wait3A_125 : memref<256x256xf32, #tpu.memory_space<hbm>>) dst(%arg6 : memref<256x256xf32, #tpu.memory_space<vmem>>)
        tpu.yield
      }) : () -> ()
      %scan3A_112 = arith.constant 0 : i32
      %scan3A_113 = arith.constant 0 : i32
      %scan3A_114 = arith.constant 16 : i32
      %scan3A_115 = arith.addi %scan3A_113, %scan3A_114 : i32
      %scan3A_116 = arith.constant 1 : i32
      %scan3A_117 = scf.for %scan3A_120 = %scan3A_113 to %scan3A_115 step %scan3A_116 iter_args(%scan3A_121 = %scan3A_112) -> (i32)  : i32 {
        %get3A_122 = arith.index_cast %scan3A_120 : i32 to index
        %get3A_123 = tpu.vector_load %arg9[%get3A_122] {strides = array<i32>} : memref<48xi32, #tpu.memory_space<vmem>>, vector<16xi32>,
        %get3A_124 = vector.shape_cast %get3A_123 : vector<16xi32> to vector<16xi32>
        %slice3A_125 = vector.extract_strided_slice %get3A_124 {offsets = [0], sizes = [1], strides = [1]} : vector<16xi32> to vector<1xi32>
        %squeeze3A_126 = vector.extract %slice3A_125[0] : i32 from vector<1xi32>
        %add3A_127 = arith.constant 1 : i32
        %add3A_128 = arith.addi %scan3A_120, %add3A_127 : i32
        %get3A_129 = arith.index_cast %add3A_128 : i32 to index
        %get3A_130 = tpu.vector_load %arg9[%get3A_129] {strides = array<i32>} : memref<48xi32, #tpu.memory_space<vmem>>, vector<16xi32>,
        %get3A_131 = vector.shape_cast %get3A_130 : vector<16xi32> to vector<16xi32>
        %slice3A_132 = vector.extract_strided_slice %get3A_131 {offsets = [0], sizes = [1], strides = [1]} : vector<16xi32> to vector<1xi32>
        %squeeze3A_133 = vector.extract %slice3A_132[0] : i32 from vector<1xi32>
        %max3A = arith.maxsi %squeeze3A_126, %add3A_109 : i32
        %sub3A_134 = arith.subi %max3A, %multiple_of3A_111 : i32
        %add3A_135 = arith.constant 256 : i32
        %add3A_136 = arith.addi %add3A_109, %add3A_135 : i32
        %min3A_137 = arith.minsi %squeeze3A_133, %add3A_136 : i32
        %sub3A_138 = arith.subi %min3A_137, %multiple_of3A_111 : i32
        %broadcast_in_dim3A_139 = arith.constant 0.000000e+00 : f32
        %broadcast_in_dim3A_140 = vector.broadcast %broadcast_in_dim3A_139 : f32 to vector<16xf32>
        %broadcast_in_dim3A_141 = arith.constant 0.000000e+00 : f32
        %broadcast_in_dim3A_142 = vector.broadcast %broadcast_in_dim3A_141 : f32 to vector<16xf32>
        %broadcast_in_dim3A_143 = arith.constant 0.000000e+00 : f32
        %broadcast_in_dim3A_144 = vector.broadcast %broadcast_in_dim3A_143 : f32 to vector<16xf32>
        %broadcast_in_dim3A_145 = arith.constant 0.000000e+00 : f32
        %broadcast_in_dim3A_146 = vector.broadcast %broadcast_in_dim3A_145 : f32 to vector<16xf32>
        %broadcast_in_dim3A_147 = arith.constant 0.000000e+00 : f32
        %broadcast_in_dim3A_148 = vector.broadcast %broadcast_in_dim3A_147 : f32 to vector<16xf32>
        %broadcast_in_dim3A_149 = arith.constant 0.000000e+00 : f32
        %broadcast_in_dim3A_150 = vector.broadcast %broadcast_in_dim3A_149 : f32 to vector<16xf32>
        %broadcast_in_dim3A_151 = arith.constant 0.000000e+00 : f32
        %broadcast_in_dim3A_152 = vector.broadcast %broadcast_in_dim3A_151 : f32 to vector<16xf32>
        %broadcast_in_dim3A_153 = arith.constant 0.000000e+00 : f32
        %broadcast_in_dim3A_154 = vector.broadcast %broadcast_in_dim3A_153 : f32 to vector<16xf32>
        %broadcast_in_dim3A_155 = arith.constant 0.000000e+00 : f32
        %broadcast_in_dim3A_156 = vector.broadcast %broadcast_in_dim3A_155 : f32 to vector<16xf32>
        %broadcast_in_dim3A_157 = arith.constant 0.000000e+00 : f32
        %broadcast_in_dim3A_158 = vector.broadcast %broadcast_in_dim3A_157 : f32 to vector<16xf32>
        %broadcast_in_dim3A_159 = arith.constant 0.000000e+00 : f32
        %broadcast_in_dim3A_160 = vector.broadcast %broadcast_in_dim3A_159 : f32 to vector<16xf32>
        %broadcast_in_dim3A_161 = arith.constant 0.000000e+00 : f32
        %broadcast_in_dim3A_162 = vector.broadcast %broadcast_in_dim3A_161 : f32 to vector<16xf32>
        %broadcast_in_dim3A_163 = arith.constant 0.000000e+00 : f32
        %broadcast_in_dim3A_164 = vector.broadcast %broadcast_in_dim3A_163 : f32 to vector<16xf32>
        %broadcast_in_dim3A_165 = arith.constant 0.000000e+00 : f32
        %broadcast_in_dim3A_166 = vector.broadcast %broadcast_in_dim3A_165 : f32 to vector<16xf32>
        %broadcast_in_dim3A_167 = arith.constant 0.000000e+00 : f32
        %broadcast_in_dim3A_168 = vector.broadcast %broadcast_in_dim3A_167 : f32 to vector<16xf32>
        %broadcast_in_dim3A_169 = arith.constant 0.000000e+00 : f32
        %broadcast_in_dim3A_170 = vector.broadcast %broadcast_in_dim3A_169 : f32 to vector<16xf32>
        %while3A_171 = arith.subi %sub3A_138, %sub3A_134 : i32
        %while3A_172 = arith.addi %sub3A_134, %while3A_171 : i32
        %while3A_173 = arith.constant 1 : i32
        %while3A_174 = arith.divsi %while3A_171, %while3A_173 : i32
        %while3A_175 = arith.muli %while3A_174, %while3A_173 : i32
        %while3A_176 = arith.addi %sub3A_134, %while3A_175 : i32
        %while3A_177 = arith.constant 1 : i32
        %while3A_178:16 = scf.for %while3A_183 = %sub3A_134 to %while3A_176 step %while3A_177 iter_args(%while3A_184 = %broadcast_in_dim3A_140, %while3A_185 = %broadcast_in_dim3A_142, %while3A_186 = %broadcast_in_dim3A_144, %while3A_187 = %broadcast_in_dim3A_146, %while3A_188 = %broadcast_in_dim3A_148, %while3A_189 = %broadcast_in_dim3A_150, %while3A_190 = %broadcast_in_dim3A_152, %while3A_191 = %broadcast_in_dim3A_154, %while3A_192 = %broadcast_in_dim3A_156, %while3A_193 = %broadcast_in_dim3A_158, %while3A_194 = %broadcast_in_dim3A_160, %while3A_195 = %broadcast_in_dim3A_162, %while3A_196 = %broadcast_in_dim3A_164, %while3A_197 = %broadcast_in_dim3A_166, %while3A_198 = %broadcast_in_dim3A_168, %while3A_199 = %broadcast_in_dim3A_170) -> (vector<16xf32>, vector<16xf32>, vector<16xf32>, vector<16xf32>, vector<16xf32>, vector<16xf32>, vector<16xf32>, vector<16xf32>, vector<16xf32>, vector<16xf32>, vector<16xf32>, vector<16xf32>, vector<16xf32>, vector<16xf32>, vector<16xf32>, vector<16xf32>)  : i32 {
          %get3A_200 = arith.index_cast %while3A_183 : i32 to index
          %get3A_201 = arith.constant 0 : index
          %get3A_202 = tpu.vector_load %arg6[%get3A_200, %get3A_201] {strides = array<i32>} : memref<256x256xf32, #tpu.memory_space<vmem>>, vector<1x16xf32>,
          %get3A_203 = vector.shape_cast %get3A_202 : vector<1x16xf32> to vector<16xf32>
          %add3A_204 = arith.addf %while3A_184, %get3A_203 : vector<16xf32>
          %get3A_205 = arith.index_cast %while3A_183 : i32 to index
          %get3A_206 = arith.constant 16 : index
          %get3A_207 = tpu.vector_load %arg6[%get3A_205, %get3A_206] {strides = array<i32>} : memref<256x256xf32, #tpu.memory_space<vmem>>, vector<1x16xf32>,
          %get3A_208 = vector.shape_cast %get3A_207 : vector<1x16xf32> to vector<16xf32>
          %add3A_209 = arith.addf %while3A_185, %get3A_208 : vector<16xf32>
          %get3A_210 = arith.index_cast %while3A_183 : i32 to index
          %get3A_211 = arith.constant 32 : index
          %get3A_212 = tpu.vector_load %arg6[%get3A_210, %get3A_211] {strides = array<i32>} : memref<256x256xf32, #tpu.memory_space<vmem>>, vector<1x16xf32>,
          %get3A_213 = vector.shape_cast %get3A_212 : vector<1x16xf32> to vector<16xf32>
          %add3A_214 = arith.addf %while3A_186, %get3A_213 : vector<16xf32>
          %get3A_215 = arith.index_cast %while3A_183 : i32 to index
          %get3A_216 = arith.constant 48 : index
          %get3A_217 = tpu.vector_load %arg6[%get3A_215, %get3A_216] {strides = array<i32>} : memref<256x256xf32, #tpu.memory_space<vmem>>, vector<1x16xf32>,
          %get3A_218 = vector.shape_cast %get3A_217 : vector<1x16xf32> to vector<16xf32>
          %add3A_219 = arith.addf %while3A_187, %get3A_218 : vector<16xf32>
          %get3A_220 = arith.index_cast %while3A_183 : i32 to index
          %get3A_221 = arith.constant 64 : index
          %get3A_222 = tpu.vector_load %arg6[%get3A_220, %get3A_221] {strides = array<i32>} : memref<256x256xf32, #tpu.memory_space<vmem>>, vector<1x16xf32>,
          %get3A_223 = vector.shape_cast %get3A_222 : vector<1x16xf32> to vector<16xf32>
          %add3A_224 = arith.addf %while3A_188, %get3A_223 : vector<16xf32>
          %get3A_225 = arith.index_cast %while3A_183 : i32 to index
          %get3A_226 = arith.constant 80 : index
          %get3A_227 = tpu.vector_load %arg6[%get3A_225, %get3A_226] {strides = array<i32>} : memref<256x256xf32, #tpu.memory_space<vmem>>, vector<1x16xf32>,
          %get3A_228 = vector.shape_cast %get3A_227 : vector<1x16xf32> to vector<16xf32>
          %add3A_229 = arith.addf %while3A_189, %get3A_228 : vector<16xf32>
          %get3A_230 = arith.index_cast %while3A_183 : i32 to index
          %get3A_231 = arith.constant 96 : index
          %get3A_232 = tpu.vector_load %arg6[%get3A_230, %get3A_231] {strides = array<i32>} : memref<256x256xf32, #tpu.memory_space<vmem>>, vector<1x16xf32>,
          %get3A_233 = vector.shape_cast %get3A_232 : vector<1x16xf32> to vector<16xf32>
          %add3A_234 = arith.addf %while3A_190, %get3A_233 : vector<16xf32>
          %get3A_235 = arith.index_cast %while3A_183 : i32 to index
          %get3A_236 = arith.constant 112 : index
          %get3A_237 = tpu.vector_load %arg6[%get3A_235, %get3A_236] {strides = array<i32>} : memref<256x256xf32, #tpu.memory_space<vmem>>, vector<1x16xf32>,
          %get3A_238 = vector.shape_cast %get3A_237 : vector<1x16xf32> to vector<16xf32>
          %add3A_239 = arith.addf %while3A_191, %get3A_238 : vector<16xf32>
          %get3A_240 = arith.index_cast %while3A_183 : i32 to index
          %get3A_241 = arith.constant 128 : index
          %get3A_242 = tpu.vector_load %arg6[%get3A_240, %get3A_241] {strides = array<i32>} : memref<256x256xf32, #tpu.memory_space<vmem>>, vector<1x16xf32>,
          %get3A_243 = vector.shape_cast %get3A_242 : vector<1x16xf32> to vector<16xf32>
          %add3A_244 = arith.addf %while3A_192, %get3A_243 : vector<16xf32>
          %get3A_245 = arith.index_cast %while3A_183 : i32 to index
          %get3A_246 = arith.constant 144 : index
          %get3A_247 = tpu.vector_load %arg6[%get3A_245, %get3A_246] {strides = array<i32>} : memref<256x256xf32, #tpu.memory_space<vmem>>, vector<1x16xf32>,
          %get3A_248 = vector.shape_cast %get3A_247 : vector<1x16xf32> to vector<16xf32>
          %add3A_249 = arith.addf %while3A_193, %get3A_248 : vector<16xf32>
          %get3A_250 = arith.index_cast %while3A_183 : i32 to index
          %get3A_251 = arith.constant 160 : index
          %get3A_252 = tpu.vector_load %arg6[%get3A_250, %get3A_251] {strides = array<i32>} : memref<256x256xf32, #tpu.memory_space<vmem>>, vector<1x16xf32>,
          %get3A_253 = vector.shape_cast %get3A_252 : vector<1x16xf32> to vector<16xf32>
          %add3A_254 = arith.addf %while3A_194, %get3A_253 : vector<16xf32>
          %get3A_255 = arith.index_cast %while3A_183 : i32 to index
          %get3A_256 = arith.constant 176 : index
          %get3A_257 = tpu.vector_load %arg6[%get3A_255, %get3A_256] {strides = array<i32>} : memref<256x256xf32, #tpu.memory_space<vmem>>, vector<1x16xf32>,
          %get3A_258 = vector.shape_cast %get3A_257 : vector<1x16xf32> to vector<16xf32>
          %add3A_259 = arith.addf %while3A_195, %get3A_258 : vector<16xf32>
          %get3A_260 = arith.index_cast %while3A_183 : i32 to index
          %get3A_261 = arith.constant 192 : index
          %get3A_262 = tpu.vector_load %arg6[%get3A_260, %get3A_261] {strides = array<i32>} : memref<256x256xf32, #tpu.memory_space<vmem>>, vector<1x16xf32>,
          %get3A_263 = vector.shape_cast %get3A_262 : vector<1x16xf32> to vector<16xf32>
          %add3A_264 = arith.addf %while3A_196, %get3A_263 : vector<16xf32>
          %get3A_265 = arith.index_cast %while3A_183 : i32 to index
          %get3A_266 = arith.constant 208 : index
          %get3A_267 = tpu.vector_load %arg6[%get3A_265, %get3A_266] {strides = array<i32>} : memref<256x256xf32, #tpu.memory_space<vmem>>, vector<1x16xf32>,
          %get3A_268 = vector.shape_cast %get3A_267 : vector<1x16xf32> to vector<16xf32>
          %add3A_269 = arith.addf %while3A_197, %get3A_268 : vector<16xf32>
          %get3A_270 = arith.index_cast %while3A_183 : i32 to index
          %get3A_271 = arith.constant 224 : index
          %get3A_272 = tpu.vector_load %arg6[%get3A_270, %get3A_271] {strides = array<i32>} : memref<256x256xf32, #tpu.memory_space<vmem>>, vector<1x16xf32>,
          %get3A_273 = vector.shape_cast %get3A_272 : vector<1x16xf32> to vector<16xf32>
          %add3A_274 = arith.addf %while3A_198, %get3A_273 : vector<16xf32>
          %get3A_275 = arith.index_cast %while3A_183 : i32 to index
          %get3A_276 = arith.constant 240 : index
          %get3A_277 = tpu.vector_load %arg6[%get3A_275, %get3A_276] {strides = array<i32>} : memref<256x256xf32, #tpu.memory_space<vmem>>, vector<1x16xf32>,
          %get3A_278 = vector.shape_cast %get3A_277 : vector<1x16xf32> to vector<16xf32>
          %add3A_279 = arith.addf %while3A_199, %get3A_278 : vector<16xf32>
          scf.yield %add3A_204, %add3A_209, %add3A_214, %add3A_219, %add3A_224, %add3A_229, %add3A_234, %add3A_239, %add3A_244, %add3A_249, %add3A_254, %add3A_259, %add3A_264, %add3A_269, %add3A_274, %add3A_279 : vector<16xf32>, vector<16xf32>, vector<16xf32>, vector<16xf32>, vector<16xf32>, vector<16xf32>, vector<16xf32>, vector<16xf32>, vector<16xf32>, vector<16xf32>, vector<16xf32>, vector<16xf32>, vector<16xf32>, vector<16xf32>, vector<16xf32>, vector<16xf32>
        }
        %while3A_179 = arith.constant 1 : i32
        %while3A_180:16 = scf.for %while3A_183 = %while3A_176 to %while3A_172 step %while3A_179 iter_args(%while3A_184 = %while3A_178#0, %while3A_185 = %while3A_178#1, %while3A_186 = %while3A_178#2, %while3A_187 = %while3A_178#3, %while3A_188 = %while3A_178#4, %while3A_189 = %while3A_178#5, %while3A_190 = %while3A_178#6, %while3A_191 = %while3A_178#7, %while3A_192 = %while3A_178#8, %while3A_193 = %while3A_178#9, %while3A_194 = %while3A_178#10, %while3A_195 = %while3A_178#11, %while3A_196 = %while3A_178#12, %while3A_197 = %while3A_178#13, %while3A_198 = %while3A_178#14, %while3A_199 = %while3A_178#15) -> (vector<16xf32>, vector<16xf32>, vector<16xf32>, vector<16xf32>, vector<16xf32>, vector<16xf32>, vector<16xf32>, vector<16xf32>, vector<16xf32>, vector<16xf32>, vector<16xf32>, vector<16xf32>, vector<16xf32>, vector<16xf32>, vector<16xf32>, vector<16xf32>)  : i32 {
          %get3A_200 = arith.index_cast %while3A_183 : i32 to index
          %get3A_201 = arith.constant 0 : index
          %get3A_202 = tpu.vector_load %arg6[%get3A_200, %get3A_201] {strides = array<i32>} : memref<256x256xf32, #tpu.memory_space<vmem>>, vector<1x16xf32>,
          %get3A_203 = vector.shape_cast %get3A_202 : vector<1x16xf32> to vector<16xf32>
          %add3A_204 = arith.addf %while3A_184, %get3A_203 : vector<16xf32>
          %get3A_205 = arith.index_cast %while3A_183 : i32 to index
          %get3A_206 = arith.constant 16 : index
          %get3A_207 = tpu.vector_load %arg6[%get3A_205, %get3A_206] {strides = array<i32>} : memref<256x256xf32, #tpu.memory_space<vmem>>, vector<1x16xf32>,
          %get3A_208 = vector.shape_cast %get3A_207 : vector<1x16xf32> to vector<16xf32>
          %add3A_209 = arith.addf %while3A_185, %get3A_208 : vector<16xf32>
          %get3A_210 = arith.index_cast %while3A_183 : i32 to index
          %get3A_211 = arith.constant 32 : index
          %get3A_212 = tpu.vector_load %arg6[%get3A_210, %get3A_211] {strides = array<i32>} : memref<256x256xf32, #tpu.memory_space<vmem>>, vector<1x16xf32>,
          %get3A_213 = vector.shape_cast %get3A_212 : vector<1x16xf32> to vector<16xf32>
          %add3A_214 = arith.addf %while3A_186, %get3A_213 : vector<16xf32>
          %get3A_215 = arith.index_cast %while3A_183 : i32 to index
          %get3A_216 = arith.constant 48 : index
          %get3A_217 = tpu.vector_load %arg6[%get3A_215, %get3A_216] {strides = array<i32>} : memref<256x256xf32, #tpu.memory_space<vmem>>, vector<1x16xf32>,
          %get3A_218 = vector.shape_cast %get3A_217 : vector<1x16xf32> to vector<16xf32>
          %add3A_219 = arith.addf %while3A_187, %get3A_218 : vector<16xf32>
          %get3A_220 = arith.index_cast %while3A_183 : i32 to index
          %get3A_221 = arith.constant 64 : index
          %get3A_222 = tpu.vector_load %arg6[%get3A_220, %get3A_221] {strides = array<i32>} : memref<256x256xf32, #tpu.memory_space<vmem>>, vector<1x16xf32>,
          %get3A_223 = vector.shape_cast %get3A_222 : vector<1x16xf32> to vector<16xf32>
          %add3A_224 = arith.addf %while3A_188, %get3A_223 : vector<16xf32>
          %get3A_225 = arith.index_cast %while3A_183 : i32 to index
          %get3A_226 = arith.constant 80 : index
          %get3A_227 = tpu.vector_load %arg6[%get3A_225, %get3A_226] {strides = array<i32>} : memref<256x256xf32, #tpu.memory_space<vmem>>, vector<1x16xf32>,
          %get3A_228 = vector.shape_cast %get3A_227 : vector<1x16xf32> to vector<16xf32>
          %add3A_229 = arith.addf %while3A_189, %get3A_228 : vector<16xf32>
          %get3A_230 = arith.index_cast %while3A_183 : i32 to index
          %get3A_231 = arith.constant 96 : index
          %get3A_232 = tpu.vector_load %arg6[%get3A_230, %get3A_231] {strides = array<i32>} : memref<256x256xf32, #tpu.memory_space<vmem>>, vector<1x16xf32>,
          %get3A_233 = vector.shape_cast %get3A_232 : vector<1x16xf32> to vector<16xf32>
          %add3A_234 = arith.addf %while3A_190, %get3A_233 : vector<16xf32>
          %get3A_235 = arith.index_cast %while3A_183 : i32 to index
          %get3A_236 = arith.constant 112 : index
          %get3A_237 = tpu.vector_load %arg6[%get3A_235, %get3A_236] {strides = array<i32>} : memref<256x256xf32, #tpu.memory_space<vmem>>, vector<1x16xf32>,
          %get3A_238 = vector.shape_cast %get3A_237 : vector<1x16xf32> to vector<16xf32>
          %add3A_239 = arith.addf %while3A_191, %get3A_238 : vector<16xf32>
          %get3A_240 = arith.index_cast %while3A_183 : i32 to index
          %get3A_241 = arith.constant 128 : index
          %get3A_242 = tpu.vector_load %arg6[%get3A_240, %get3A_241] {strides = array<i32>} : memref<256x256xf32, #tpu.memory_space<vmem>>, vector<1x16xf32>,
          %get3A_243 = vector.shape_cast %get3A_242 : vector<1x16xf32> to vector<16xf32>
          %add3A_244 = arith.addf %while3A_192, %get3A_243 : vector<16xf32>
          %get3A_245 = arith.index_cast %while3A_183 : i32 to index
          %get3A_246 = arith.constant 144 : index
          %get3A_247 = tpu.vector_load %arg6[%get3A_245, %get3A_246] {strides = array<i32>} : memref<256x256xf32, #tpu.memory_space<vmem>>, vector<1x16xf32>,
          %get3A_248 = vector.shape_cast %get3A_247 : vector<1x16xf32> to vector<16xf32>
          %add3A_249 = arith.addf %while3A_193, %get3A_248 : vector<16xf32>
          %get3A_250 = arith.index_cast %while3A_183 : i32 to index
          %get3A_251 = arith.constant 160 : index
          %get3A_252 = tpu.vector_load %arg6[%get3A_250, %get3A_251] {strides = array<i32>} : memref<256x256xf32, #tpu.memory_space<vmem>>, vector<1x16xf32>,
          %get3A_253 = vector.shape_cast %get3A_252 : vector<1x16xf32> to vector<16xf32>
          %add3A_254 = arith.addf %while3A_194, %get3A_253 : vector<16xf32>
          %get3A_255 = arith.index_cast %while3A_183 : i32 to index
          %get3A_256 = arith.constant 176 : index
          %get3A_257 = tpu.vector_load %arg6[%get3A_255, %get3A_256] {strides = array<i32>} : memref<256x256xf32, #tpu.memory_space<vmem>>, vector<1x16xf32>,
          %get3A_258 = vector.shape_cast %get3A_257 : vector<1x16xf32> to vector<16xf32>
          %add3A_259 = arith.addf %while3A_195, %get3A_258 : vector<16xf32>
          %get3A_260 = arith.index_cast %while3A_183 : i32 to index
          %get3A_261 = arith.constant 192 : index
          %get3A_262 = tpu.vector_load %arg6[%get3A_260, %get3A_261] {strides = array<i32>} : memref<256x256xf32, #tpu.memory_space<vmem>>, vector<1x16xf32>,
          %get3A_263 = vector.shape_cast %get3A_262 : vector<1x16xf32> to vector<16xf32>
          %add3A_264 = arith.addf %while3A_196, %get3A_263 : vector<16xf32>
          %get3A_265 = arith.index_cast %while3A_183 : i32 to index
          %get3A_266 = arith.constant 208 : index
          %get3A_267 = tpu.vector_load %arg6[%get3A_265, %get3A_266] {strides = array<i32>} : memref<256x256xf32, #tpu.memory_space<vmem>>, vector<1x16xf32>,
          %get3A_268 = vector.shape_cast %get3A_267 : vector<1x16xf32> to vector<16xf32>
          %add3A_269 = arith.addf %while3A_197, %get3A_268 : vector<16xf32>
          %get3A_270 = arith.index_cast %while3A_183 : i32 to index
          %get3A_271 = arith.constant 224 : index
          %get3A_272 = tpu.vector_load %arg6[%get3A_270, %get3A_271] {strides = array<i32>} : memref<256x256xf32, #tpu.memory_space<vmem>>, vector<1x16xf32>,
          %get3A_273 = vector.shape_cast %get3A_272 : vector<1x16xf32> to vector<16xf32>
          %add3A_274 = arith.addf %while3A_198, %get3A_273 : vector<16xf32>
          %get3A_275 = arith.index_cast %while3A_183 : i32 to index
          %get3A_276 = arith.constant 240 : index
          %get3A_277 = tpu.vector_load %arg6[%get3A_275, %get3A_276] {strides = array<i32>} : memref<256x256xf32, #tpu.memory_space<vmem>>, vector<1x16xf32>,
          %get3A_278 = vector.shape_cast %get3A_277 : vector<1x16xf32> to vector<16xf32>
          %add3A_279 = arith.addf %while3A_199, %get3A_278 : vector<16xf32>
          scf.yield %add3A_204, %add3A_209, %add3A_214, %add3A_219, %add3A_224, %add3A_229, %add3A_234, %add3A_239, %add3A_244, %add3A_249, %add3A_254, %add3A_259, %add3A_264, %add3A_269, %add3A_274, %add3A_279 : vector<16xf32>, vector<16xf32>, vector<16xf32>, vector<16xf32>, vector<16xf32>, vector<16xf32>, vector<16xf32>, vector<16xf32>, vector<16xf32>, vector<16xf32>, vector<16xf32>, vector<16xf32>, vector<16xf32>, vector<16xf32>, vector<16xf32>, vector<16xf32>
        }
        %gt3A = arith.cmpi sgt, %sub3A_138, %sub3A_134 : i32
        %convert_element_type3A = arith.extui %gt3A : i1 to i32
        %cond3A = arith.constant 0 : i32
        %cond3A_181 = arith.cmpi ne, %convert_element_type3A, %cond3A : i32
        scf.if %cond3A_181 {
          %swap3A_183 = arith.index_cast %scan3A_120 : i32 to index
          %swap3A_184 = arith.constant 0 : index
          %swap3A_185 = tpu.vector_load %arg7[%swap3A_183, %swap3A_184] {strides = array<i32>} : memref<16x256xf32, #tpu.memory_space<vmem>>, vector<1x16xf32>,
          %swap3A_186 = vector.shape_cast %swap3A_185 : vector<1x16xf32> to vector<16xf32>
          %swap3A_187 = vector.shape_cast %while3A_180#0 : vector<16xf32> to vector<1x16xf32>
          tpu.vector_store %arg7[%swap3A_183, %swap3A_184], %swap3A_187 {add = true, strides = array<i32>} : memref<16x256xf32, #tpu.memory_space<vmem>>, vector<1x16xf32>,
          %swap3A_188 = arith.index_cast %scan3A_120 : i32 to index
          %swap3A_189 = arith.constant 16 : index
          %swap3A_190 = tpu.vector_load %arg7[%swap3A_188, %swap3A_189] {strides = array<i32>} : memref<16x256xf32, #tpu.memory_space<vmem>>, vector<1x16xf32>,
          %swap3A_191 = vector.shape_cast %swap3A_190 : vector<1x16xf32> to vector<16xf32>
          %swap3A_192 = vector.shape_cast %while3A_180#1 : vector<16xf32> to vector<1x16xf32>
          tpu.vector_store %arg7[%swap3A_188, %swap3A_189], %swap3A_192 {add = true, strides = array<i32>} : memref<16x256xf32, #tpu.memory_space<vmem>>, vector<1x16xf32>,
          %swap3A_193 = arith.index_cast %scan3A_120 : i32 to index
          %swap3A_194 = arith.constant 32 : index
          %swap3A_195 = tpu.vector_load %arg7[%swap3A_193, %swap3A_194] {strides = array<i32>} : memref<16x256xf32, #tpu.memory_space<vmem>>, vector<1x16xf32>,
          %swap3A_196 = vector.shape_cast %swap3A_195 : vector<1x16xf32> to vector<16xf32>
          %swap3A_197 = vector.shape_cast %while3A_180#2 : vector<16xf32> to vector<1x16xf32>
          tpu.vector_store %arg7[%swap3A_193, %swap3A_194], %swap3A_197 {add = true, strides = array<i32>} : memref<16x256xf32, #tpu.memory_space<vmem>>, vector<1x16xf32>,
          %swap3A_198 = arith.index_cast %scan3A_120 : i32 to index
          %swap3A_199 = arith.constant 48 : index
          %swap3A_200 = tpu.vector_load %arg7[%swap3A_198, %swap3A_199] {strides = array<i32>} : memref<16x256xf32, #tpu.memory_space<vmem>>, vector<1x16xf32>,
          %swap3A_201 = vector.shape_cast %swap3A_200 : vector<1x16xf32> to vector<16xf32>
          %swap3A_202 = vector.shape_cast %while3A_180#3 : vector<16xf32> to vector<1x16xf32>
          tpu.vector_store %arg7[%swap3A_198, %swap3A_199], %swap3A_202 {add = true, strides = array<i32>} : memref<16x256xf32, #tpu.memory_space<vmem>>, vector<1x16xf32>,
          %swap3A_203 = arith.index_cast %scan3A_120 : i32 to index
          %swap3A_204 = arith.constant 64 : index
          %swap3A_205 = tpu.vector_load %arg7[%swap3A_203, %swap3A_204] {strides = array<i32>} : memref<16x256xf32, #tpu.memory_space<vmem>>, vector<1x16xf32>,
          %swap3A_206 = vector.shape_cast %swap3A_205 : vector<1x16xf32> to vector<16xf32>
          %swap3A_207 = vector.shape_cast %while3A_180#4 : vector<16xf32> to vector<1x16xf32>
          tpu.vector_store %arg7[%swap3A_203, %swap3A_204], %swap3A_207 {add = true, strides = array<i32>} : memref<16x256xf32, #tpu.memory_space<vmem>>, vector<1x16xf32>,
          %swap3A_208 = arith.index_cast %scan3A_120 : i32 to index
          %swap3A_209 = arith.constant 80 : index
          %swap3A_210 = tpu.vector_load %arg7[%swap3A_208, %swap3A_209] {strides = array<i32>} : memref<16x256xf32, #tpu.memory_space<vmem>>, vector<1x16xf32>,
          %swap3A_211 = vector.shape_cast %swap3A_210 : vector<1x16xf32> to vector<16xf32>
          %swap3A_212 = vector.shape_cast %while3A_180#5 : vector<16xf32> to vector<1x16xf32>
          tpu.vector_store %arg7[%swap3A_208, %swap3A_209], %swap3A_212 {add = true, strides = array<i32>} : memref<16x256xf32, #tpu.memory_space<vmem>>, vector<1x16xf32>,
          %swap3A_213 = arith.index_cast %scan3A_120 : i32 to index
          %swap3A_214 = arith.constant 96 : index
          %swap3A_215 = tpu.vector_load %arg7[%swap3A_213, %swap3A_214] {strides = array<i32>} : memref<16x256xf32, #tpu.memory_space<vmem>>, vector<1x16xf32>,
          %swap3A_216 = vector.shape_cast %swap3A_215 : vector<1x16xf32> to vector<16xf32>
          %swap3A_217 = vector.shape_cast %while3A_180#6 : vector<16xf32> to vector<1x16xf32>
          tpu.vector_store %arg7[%swap3A_213, %swap3A_214], %swap3A_217 {add = true, strides = array<i32>} : memref<16x256xf32, #tpu.memory_space<vmem>>, vector<1x16xf32>,
          %swap3A_218 = arith.index_cast %scan3A_120 : i32 to index
          %swap3A_219 = arith.constant 112 : index
          %swap3A_220 = tpu.vector_load %arg7[%swap3A_218, %swap3A_219] {strides = array<i32>} : memref<16x256xf32, #tpu.memory_space<vmem>>, vector<1x16xf32>,
          %swap3A_221 = vector.shape_cast %swap3A_220 : vector<1x16xf32> to vector<16xf32>
          %swap3A_222 = vector.shape_cast %while3A_180#7 : vector<16xf32> to vector<1x16xf32>
          tpu.vector_store %arg7[%swap3A_218, %swap3A_219], %swap3A_222 {add = true, strides = array<i32>} : memref<16x256xf32, #tpu.memory_space<vmem>>, vector<1x16xf32>,
          %swap3A_223 = arith.index_cast %scan3A_120 : i32 to index
          %swap3A_224 = arith.constant 128 : index
          %swap3A_225 = tpu.vector_load %arg7[%swap3A_223, %swap3A_224] {strides = array<i32>} : memref<16x256xf32, #tpu.memory_space<vmem>>, vector<1x16xf32>,
          %swap3A_226 = vector.shape_cast %swap3A_225 : vector<1x16xf32> to vector<16xf32>
          %swap3A_227 = vector.shape_cast %while3A_180#8 : vector<16xf32> to vector<1x16xf32>
          tpu.vector_store %arg7[%swap3A_223, %swap3A_224], %swap3A_227 {add = true, strides = array<i32>} : memref<16x256xf32, #tpu.memory_space<vmem>>, vector<1x16xf32>,
          %swap3A_228 = arith.index_cast %scan3A_120 : i32 to index
          %swap3A_229 = arith.constant 144 : index
          %swap3A_230 = tpu.vector_load %arg7[%swap3A_228, %swap3A_229] {strides = array<i32>} : memref<16x256xf32, #tpu.memory_space<vmem>>, vector<1x16xf32>,
          %swap3A_231 = vector.shape_cast %swap3A_230 : vector<1x16xf32> to vector<16xf32>
          %swap3A_232 = vector.shape_cast %while3A_180#9 : vector<16xf32> to vector<1x16xf32>
          tpu.vector_store %arg7[%swap3A_228, %swap3A_229], %swap3A_232 {add = true, strides = array<i32>} : memref<16x256xf32, #tpu.memory_space<vmem>>, vector<1x16xf32>,
          %swap3A_233 = arith.index_cast %scan3A_120 : i32 to index
          %swap3A_234 = arith.constant 160 : index
          %swap3A_235 = tpu.vector_load %arg7[%swap3A_233, %swap3A_234] {strides = array<i32>} : memref<16x256xf32, #tpu.memory_space<vmem>>, vector<1x16xf32>,
          %swap3A_236 = vector.shape_cast %swap3A_235 : vector<1x16xf32> to vector<16xf32>
          %swap3A_237 = vector.shape_cast %while3A_180#10 : vector<16xf32> to vector<1x16xf32>
          tpu.vector_store %arg7[%swap3A_233, %swap3A_234], %swap3A_237 {add = true, strides = array<i32>} : memref<16x256xf32, #tpu.memory_space<vmem>>, vector<1x16xf32>,
          %swap3A_238 = arith.index_cast %scan3A_120 : i32 to index
          %swap3A_239 = arith.constant 176 : index
          %swap3A_240 = tpu.vector_load %arg7[%swap3A_238, %swap3A_239] {strides = array<i32>} : memref<16x256xf32, #tpu.memory_space<vmem>>, vector<1x16xf32>,
          %swap3A_241 = vector.shape_cast %swap3A_240 : vector<1x16xf32> to vector<16xf32>
          %swap3A_242 = vector.shape_cast %while3A_180#11 : vector<16xf32> to vector<1x16xf32>
          tpu.vector_store %arg7[%swap3A_238, %swap3A_239], %swap3A_242 {add = true, strides = array<i32>} : memref<16x256xf32, #tpu.memory_space<vmem>>, vector<1x16xf32>,
          %swap3A_243 = arith.index_cast %scan3A_120 : i32 to index
          %swap3A_244 = arith.constant 192 : index
          %swap3A_245 = tpu.vector_load %arg7[%swap3A_243, %swap3A_244] {strides = array<i32>} : memref<16x256xf32, #tpu.memory_space<vmem>>, vector<1x16xf32>,
          %swap3A_246 = vector.shape_cast %swap3A_245 : vector<1x16xf32> to vector<16xf32>
          %swap3A_247 = vector.shape_cast %while3A_180#12 : vector<16xf32> to vector<1x16xf32>
          tpu.vector_store %arg7[%swap3A_243, %swap3A_244], %swap3A_247 {add = true, strides = array<i32>} : memref<16x256xf32, #tpu.memory_space<vmem>>, vector<1x16xf32>,
          %swap3A_248 = arith.index_cast %scan3A_120 : i32 to index
          %swap3A_249 = arith.constant 208 : index
          %swap3A_250 = tpu.vector_load %arg7[%swap3A_248, %swap3A_249] {strides = array<i32>} : memref<16x256xf32, #tpu.memory_space<vmem>>, vector<1x16xf32>,
          %swap3A_251 = vector.shape_cast %swap3A_250 : vector<1x16xf32> to vector<16xf32>
          %swap3A_252 = vector.shape_cast %while3A_180#13 : vector<16xf32> to vector<1x16xf32>
          tpu.vector_store %arg7[%swap3A_248, %swap3A_249], %swap3A_252 {add = true, strides = array<i32>} : memref<16x256xf32, #tpu.memory_space<vmem>>, vector<1x16xf32>,
          %swap3A_253 = arith.index_cast %scan3A_120 : i32 to index
          %swap3A_254 = arith.constant 224 : index
          %swap3A_255 = tpu.vector_load %arg7[%swap3A_253, %swap3A_254] {strides = array<i32>} : memref<16x256xf32, #tpu.memory_space<vmem>>, vector<1x16xf32>,
          %swap3A_256 = vector.shape_cast %swap3A_255 : vector<1x16xf32> to vector<16xf32>
          %swap3A_257 = vector.shape_cast %while3A_180#14 : vector<16xf32> to vector<1x16xf32>
          tpu.vector_store %arg7[%swap3A_253, %swap3A_254], %swap3A_257 {add = true, strides = array<i32>} : memref<16x256xf32, #tpu.memory_space<vmem>>, vector<1x16xf32>,
          %swap3A_258 = arith.index_cast %scan3A_120 : i32 to index
          %swap3A_259 = arith.constant 240 : index
          %swap3A_260 = tpu.vector_load %arg7[%swap3A_258, %swap3A_259] {strides = array<i32>} : memref<16x256xf32, #tpu.memory_space<vmem>>, vector<1x16xf32>,
          %swap3A_261 = vector.shape_cast %swap3A_260 : vector<1x16xf32> to vector<16xf32>
          %swap3A_262 = vector.shape_cast %while3A_180#15 : vector<16xf32> to vector<1x16xf32>
          tpu.vector_store %arg7[%swap3A_258, %swap3A_259], %swap3A_262 {add = true, strides = array<i32>} : memref<16x256xf32, #tpu.memory_space<vmem>>, vector<1x16xf32>,
        } else {
        }
        %scan3A_182 = arith.constant 0 : i32
        scf.yield %scan3A_182 : i32
      }
      %scan3A_118 = arith.constant 16 : i32
      %while3A_119 = arith.constant 0 : i32
      scf.yield %while3A_119 : i32
    }
    "tpu.region"() ({
      %run_scoped3A = tpu.sem_alloc : memref<!tpu.dma_semaphore, #tpu.memory_space<semaphore_mem>>
      %dma_start3A = arith.constant 0 : i32
      %dma_start3A_105 = tpu.memref_slice %arg4[%mul3A_2, %dma_start3A] : memref<512x256xf32, #tpu.memory_space<hbm>> -> memref<16x256xf32, #tpu.memory_space<hbm>>
      %dma_start3A_106 = arith.constant 0 : i32
      %dma_start3A_107 = tpu.memref_slice %arg4[%mul3A_2, %dma_start3A_106] : memref<512x256xf32, #tpu.memory_space<hbm>> -> memref<16x256xf32, #tpu.memory_space<hbm>>
      tpu.enqueue_dma source(%arg7 : memref<16x256xf32, #tpu.memory_space<vmem>>) target(%dma_start3A_107 : memref<16x256xf32, #tpu.memory_space<hbm>>) target_semaphore(%run_scoped3A : memref<!tpu.dma_semaphore, #tpu.memory_space<semaphore_mem>>)
      %dma_wait3A = arith.constant 0 : i32
      %dma_wait3A_108 = tpu.memref_slice %arg4[%mul3A_2, %dma_wait3A] : memref<512x256xf32, #tpu.memory_space<hbm>> -> memref<16x256xf32, #tpu.memory_space<hbm>>
      %dma_wait3A_109 = arith.constant 0 : i32
      %dma_wait3A_110 = tpu.memref_slice %arg4[%mul3A_2, %dma_wait3A_109] : memref<512x256xf32, #tpu.memory_space<hbm>> -> memref<16x256xf32, #tpu.memory_space<hbm>>
      tpu.wait_dma2 semaphore(%run_scoped3A : memref<!tpu.dma_semaphore, #tpu.memory_space<semaphore_mem>>) src(%arg7 : memref<16x256xf32, #tpu.memory_space<vmem>>) dst(%dma_wait3A_110 : memref<16x256xf32, #tpu.memory_space<hbm>>)
      tpu.yield
    }) : () -> ()
    %get3A_94 = arith.constant 1 : index
    %get3A_95 = tpu.vector_load %arg9[%get3A_94] {strides = array<i32>} : memref<48xi32, #tpu.memory_space<vmem>>, vector<16xi32>,
    %get3A_96 = vector.shape_cast %get3A_95 : vector<16xi32> to vector<16xi32>
    %get3A_97 = arith.constant 0 : index
    %get3A_98 = tpu.vector_load %arg9[%get3A_97] {strides = array<i32>} : memref<48xi32, #tpu.memory_space<vmem>>, vector<16xi32>,
    %get3A_99 = vector.shape_cast %get3A_98 : vector<16xi32> to vector<16xi32>
    %sub3A_100 = arith.subi %get3A_96, %get3A_99 : vector<16xi32>
    %swap3A_101 = arith.constant 0 : index
    %swap3A_102 = tpu.vector_load %arg10[%swap3A_101] {strides = array<i32>} : memref<16xi32, #tpu.memory_space<vmem>>, vector<16xi32>,
    %swap3A_103 = vector.shape_cast %swap3A_102 : vector<16xi32> to vector<16xi32>
    %swap3A_104 = vector.shape_cast %sub3A_100 : vector<16xi32> to vector<16xi32>
    tpu.vector_store %arg10[%swap3A_101], %swap3A_104 {strides = array<i32>} : memref<16xi32, #tpu.memory_space<vmem>>, vector<16xi32>,
    "tpu.region"() ({
      %run_scoped3A = tpu.sem_alloc : memref<!tpu.dma_semaphore, #tpu.memory_space<semaphore_mem>>
      %dma_start3A = tpu.memref_slice %arg5[%mul3A_2] : memref<512xi32, #tpu.memory_space<hbm>> -> memref<16xi32, #tpu.memory_space<hbm>>
      %dma_start3A_105 = tpu.memref_slice %arg5[%mul3A_2] : memref<512xi32, #tpu.memory_space<hbm>> -> memref<16xi32, #tpu.memory_space<hbm>>
      tpu.enqueue_dma source(%arg10 : memref<16xi32, #tpu.memory_space<vmem>>) target(%dma_start3A_105 : memref<16xi32, #tpu.memory_space<hbm>>) target_semaphore(%run_scoped3A : memref<!tpu.dma_semaphore, #tpu.memory_space<semaphore_mem>>)
      %dma_wait3A = tpu.memref_slice %arg5[%mul3A_2] : memref<512xi32, #tpu.memory_space<hbm>> -> memref<16xi32, #tpu.memory_space<hbm>>
      %dma_wait3A_106 = tpu.memref_slice %arg5[%mul3A_2] : memref<512xi32, #tpu.memory_space<hbm>> -> memref<16xi32, #tpu.memory_space<hbm>>
      tpu.wait_dma2 semaphore(%run_scoped3A : memref<!tpu.dma_semaphore, #tpu.memory_space<semaphore_mem>>) src(%arg10 : memref<16xi32, #tpu.memory_space<vmem>>) dst(%dma_wait3A_106 : memref<16xi32, #tpu.memory_space<hbm>>)
      tpu.yield
    }) : () -> ()
    return
  }
}

module attributes {stable_mosaic.version = 14 : i64} {
  func.func @_tc_finish(%arg0: memref<512x256xf32, #tpu.memory_space<vmem>>, %arg1: memref<512x1xi32, #tpu.memory_space<vmem>>, %arg2: memref<256x256xf32, #tpu.memory_space<vmem>>, %arg3: memref<1x256xf32, #tpu.memory_space<vmem>>, %arg4: memref<256x256xf32, #tpu.memory_space<vmem>>, %arg5: memref<1x256xf32, #tpu.memory_space<vmem>>, %arg6: memref<512x256xf32, #tpu.memory_space<vmem>>, %arg7: memref<512x256xf32, #tpu.memory_space<vmem>>) attributes {dimension_semantics = [], scalar_prefetch = 0 : i64, scratch_operands = 0 : i64, tpu.core_type = #tpu.core_type<tc>} {
    %get3A = arith.constant 0 : index
    %get3A_0 = arith.constant 0 : index
    %get3A_1 = vector.load %arg1[%get3A, %get3A_0] : memref<512x1xi32, #tpu.memory_space<vmem>>, vector<512x1xi32>
    %convert_element_type3A = arith.sitofp %get3A_1 : vector<512x1xi32> to vector<512x1xf32>
    %max3A = arith.constant 1.000000e+00 : f32
    %max3A_2 = vector.broadcast %max3A : f32 to vector<512x1xf32>
    %max3A_3 = arith.maximumf %convert_element_type3A, %max3A_2 : vector<512x1xf32>
    %get3A_4 = arith.constant 0 : index
    %get3A_5 = arith.constant 0 : index
    %get3A_6 = vector.load %arg0[%get3A_4, %get3A_5] : memref<512x256xf32, #tpu.memory_space<vmem>>, vector<512x256xf32>
    %div3A = vector.broadcast %max3A_3 : vector<512x1xf32> to vector<512x256xf32>
    %div3A_7 = arith.divf %get3A_6, %div3A : vector<512x256xf32>
    %swap3A = arith.constant 0 : index
    %swap3A_8 = arith.constant 0 : index
    %swap3A_9 = vector.load %arg6[%swap3A, %swap3A_8] : memref<512x256xf32, #tpu.memory_space<vmem>>, vector<512x256xf32>
    tpu.vector_store %arg6[%swap3A, %swap3A_8], %div3A_7 {strides = array<i32>} : memref<512x256xf32, #tpu.memory_space<vmem>>, vector<512x256xf32>,
    %get3A_10 = arith.constant 0 : index
    %get3A_11 = arith.constant 0 : index
    %get3A_12 = vector.load %arg2[%get3A_10, %get3A_11] : memref<256x256xf32, #tpu.memory_space<vmem>>, vector<256x256xf32>
    %dot_general3A = arith.constant dense<0.000000e+00> : vector<512x256xf32>
    %dot_general3A_13 = tpu.matmul %div3A_7, %get3A_12, %dot_general3A {dimension_numbers = #tpu.dot_dimension_numbers<[1], [1], [0], [0], [0, 0, 1, 0], [], []>, transpose_lhs_hint = false} : vector<512x256xf32>, vector<256x256xf32>, vector<512x256xf32> -> vector<512x256xf32>
    %get3A_14 = arith.constant 0 : index
    %get3A_15 = arith.constant 0 : index
    %get3A_16 = vector.load %arg3[%get3A_14, %get3A_15] : memref<1x256xf32, #tpu.memory_space<vmem>>, vector<1x256xf32>
    %add3A = vector.broadcast %get3A_16 : vector<1x256xf32> to vector<512x256xf32>
    %add3A_17 = arith.addf %dot_general3A_13, %add3A : vector<512x256xf32>
    %max3A_18 = arith.constant 0.000000e+00 : f32
    %max3A_19 = vector.broadcast %max3A_18 : f32 to vector<512x256xf32>
    %max3A_20 = arith.maximumf %add3A_17, %max3A_19 : vector<512x256xf32>
    %get3A_21 = arith.constant 0 : index
    %get3A_22 = arith.constant 0 : index
    %get3A_23 = vector.load %arg4[%get3A_21, %get3A_22] : memref<256x256xf32, #tpu.memory_space<vmem>>, vector<256x256xf32>
    %dot_general3A_24 = arith.constant dense<0.000000e+00> : vector<512x256xf32>
    %dot_general3A_25 = tpu.matmul %max3A_20, %get3A_23, %dot_general3A_24 {dimension_numbers = #tpu.dot_dimension_numbers<[1], [1], [0], [0], [0, 0, 1, 0], [], []>, transpose_lhs_hint = false} : vector<512x256xf32>, vector<256x256xf32>, vector<512x256xf32> -> vector<512x256xf32>
    %get3A_26 = arith.constant 0 : index
    %get3A_27 = arith.constant 0 : index
    %get3A_28 = vector.load %arg5[%get3A_26, %get3A_27] : memref<1x256xf32, #tpu.memory_space<vmem>>, vector<1x256xf32>
    %add3A_29 = vector.broadcast %get3A_28 : vector<1x256xf32> to vector<512x256xf32>
    %add3A_30 = arith.addf %dot_general3A_25, %add3A_29 : vector<512x256xf32>
    %swap3A_31 = arith.constant 0 : index
    %swap3A_32 = arith.constant 0 : index
    %swap3A_33 = vector.load %arg7[%swap3A_31, %swap3A_32] : memref<512x256xf32, #tpu.memory_space<vmem>>, vector<512x256xf32>
    tpu.vector_store %arg7[%swap3A_31, %swap3A_32], %add3A_30 {strides = array<i32>} : memref<512x256xf32, #tpu.memory_space<vmem>>, vector<512x256xf32>,
    return
  }
}

</mosaic_0001>

<sc_bundles>
// kernel: kernel.4.cloned.1.call-start
scs
__scs_entry_jumppad:
0x0: {  	(pc) =	sbr.rel $0x88, $3  }
0x1: {  	(tag) =	ssettag $0x0;
	lr =	simm.s32 $0x1  }
0x2: {  	[smem:$0x3F9B] =	sst lr;
	_ =	strace $0xD0000000  }
0x3: {  	_ = 	snop  }
0x4: {  	_ = 	snop  }
0x5: {  	_ = 	snop  }
0x6: {  	_ = 	snop  }
0x7: {  	_ = 	snop  }
__scs_overlays_trampoline_lowered:
0x8: {  	[smem:$0x3FAA] =	sst s0  }
0x9: {  	[smem:$0x3FAB] =	sst s1  }
0xa: {  	[smem:$0x3FAC] =	sst s2  }
0xb: {  	[smem:$0x3FAD] =	sst s3  }
0xc: {  	[smem:$0x3FAE] =	sst s4  }
0xd: {  	[smem:$0x3FAF] =	sst s5  }
0xe: {  	[smem:$0x3FB0] =	sst s6  }
0xf: {  	[smem:$0x3FB1] =	sst s7  }
0x10: {  	[smem:$0x3FB2] =	sst s8  }
0x11: {  	[smem:$0x3FB3] =	sst s9;
	s0 =	simm.s32 @!p0 $0x0  }
0x12: {  	s1 =	sld [smem:$0x3F99];
	s0 =	simm.s32 @p0 $0x1  }
0x13: {  	[smem:$0x3FB4] =	sst s0;
	s0 =	simm.s32 @!p1 $0x0  }
0x14: {  	s2 =	sld [smem:$0x3F98];
	s0 =	simm.s32 @p1 $0x1  }
0x15: {  	[smem:$0x3FB5] =	sst s0;
	s0 =	simm.s32 @!p2 $0x0  }
0x16: {  	s3 =	sld [smem:$0x3FDB];
	s0 =	simm.s32 @p2 $0x1  }
0x17: {  	s4 =	simm.s32 $0x1BF5;
	[smem:$0x3FB7] =	sst s0  }
0x18: {  	s0 =	sld [smem:$0x3F9A];
	_ =	swait.ge [sflag:s4], $0x0  }
0x19: {  	s7 =	sld [smem:$0x3F9B]  }
0x1a: {  	s8 =	sadd.s32 $0xFFFFE003, lr  }
0x1b: {  	s9 =	sadd.s32 $0xFFFFFEF7, lr;
	s5 =	simm.s32 $0xFFFFFFFF;
	p2 =	slt.u32 s8, $0xFFFFF086  }
0x1c: {  	p1 =	slt.u32 s9, $0xF7A;
	s5 =	simm.s32 @!p2 $0x0  }
0x1d: {  	s5 =	simm.s32 @p1 $0x1;
	p0 =	seq.s32 s7, s2  }
0x1e: {  	s7 =	smul.u32 @!p0 $0xF7A, s2;
	p2 =	seq.s32 @!p0 s5, $0x0  }
0x1f: {  	s9 =	smul.u32 $0xF7A, s1;
	s8 =	simm.s32 @!p0 $0x1BF5;
	p2 =	por !p2, p0  }
0x20: {  	[sflag:s8] =	ssyncset.s32 @!p0 $0xFFFFF086;
	s6 =	sadd.s32 @!p0 s3, s7;
	s7 =	simm.s32 @!p0 $0x108  }
0x21: {  	s3 =	sadd.s32 s3, s9;
	s6 =	sadd.s32 @!p0 $0x88, s6;
	s7 =	simm.s32 @p2 $0x1082  }
0x22: {  	[simem:s7], [sflag:s8] =	dma.local @!p0 [hbm:s6], $0xF7A  }
0x23: {  	s9 =	sor.u32 $0xD0000000, s2;
	s6 =	simm.s32 $0x108;
	_ =	swait.ge @!p0 [sflag:s8], $0x0  }
0x24: {  	s3 =	sadd.s32 $0x88, s3;
	s6 =	simm.s32 @!p1 $0x1082;
	[sflag:s4] =	ssyncset.s32 $0xFFFFF086  }
0x25: {  	[simem:s6], [sflag:s4] =	dma.local [hbm:s3], $0xF7A  }
0x26: {  	[smem:$0x3F9B] =	sst s1;
	(tag) =	ssettag s2;
	_ =	strace s9  }
0x27: {  	s1 =	sld [smem:$0x3FAB]  }
0x28: {  	s2 =	sld [smem:$0x3FAC]  }
0x29: {  	s4 =	sld [smem:$0x3FAE]  }
0x2a: {  	p0 =	seq.s32 s5, $0x0;
	s5 =	sld [smem:$0x3FAF]  }
0x2b: {  	s6 =	sld [smem:$0x3FB0]  }
0x2c: {  	s7 =	sld [smem:$0x3FB1]  }
0x2d: {  	s3 =	simm.s32 $0x108;
	s8 =	sld [smem:$0x3FB2]  }
0x2e: {  	s3 =	simm.s32 @!p0 $0x1082;
	s9 =	sld [smem:$0x3FB3]  }
0x2f: {  	lr =	sadd.s32 s0, s3;
	s0 =	sld [smem:$0x3FAA]  }
0x30: {  	s3 =	sld [smem:$0x3FAD]  }
0x31: {  	[smem:$0x3FB6] =	sst s10  }
0x32: {  	s10 =	sld [smem:$0x3FB4];
	_ =	sdelay $0x3  }
0x33: {  	p0 =	seq.s32 s10, $0x1;
	s10 =	sld [smem:$0x3FB6];
	_ =	sdelay $0x3  }
0x34: {  	[smem:$0x3FB6] =	sst s10  }
0x35: {  	s10 =	sld [smem:$0x3FB5];
	_ =	sdelay $0x3  }
0x36: {  	p1 =	seq.s32 s10, $0x1;
	s10 =	sld [smem:$0x3FB6];
	_ =	sdelay $0x3  }
0x37: {  	[smem:$0x3FB6] =	sst s10  }
0x38: {  	s10 =	sld [smem:$0x3FB7]  }
0x39: {  	_ = 	snop;
	(pc) =	sbr.ind lr, $3  }
0x3a: {  	_ = 	snop  }
0x3b: {  	_ = 	snop  }
0x3c: {  	p2 =	seq.s32 s10, $0x1;
	s10 =	sld [smem:$0x3FB6]  }
0x3d: {  	_ =	shalt  }
0x3e: {  	_ =	shalt  }
0x3f: {  	_ =	shalt  }
0x40: {  	_ =	shalt  }
0x41: {  	_ =	shalt  }
0x42: {  	_ =	shalt  }
0x43: {  	_ =	shalt  }
0x44: {  	_ =	shalt  }
0x45: {  	_ =	shalt  }
0x46: {  	_ =	shalt  }
0x47: {  	_ =	shalt  }
0x48: {  	_ =	shalt  }
0x49: {  	_ =	shalt  }
0x4a: {  	_ =	shalt  }
0x4b: {  	_ =	shalt  }
0x4c: {  	_ =	shalt  }
0x4d: {  	_ =	shalt  }
0x4e: {  	_ =	shalt  }
0x4f: {  	_ =	shalt  }
0x50: {  	_ =	shalt  }
0x51: {  	_ =	shalt  }
0x52: {  	_ =	shalt  }
0x53: {  	_ =	shalt  }
0x54: {  	_ =	shalt  }
0x55: {  	_ =	shalt  }
0x56: {  	_ =	shalt  }
0x57: {  	_ =	shalt  }
0x58: {  	_ =	shalt  }
0x59: {  	_ =	shalt  }
0x5a: {  	_ =	shalt  }
0x5b: {  	_ =	shalt  }
0x5c: {  	_ =	shalt  }
0x5d: {  	_ =	shalt  }
0x5e: {  	_ =	shalt  }
0x5f: {  	_ =	shalt  }
0x60: {  	_ =	shalt  }
0x61: {  	_ =	shalt  }
0x62: {  	_ =	shalt  }
0x63: {  	_ =	shalt  }
0x64: {  	_ =	shalt  }
0x65: {  	_ =	shalt  }
0x66: {  	_ =	shalt  }
0x67: {  	_ =	shalt  }
0x68: {  	_ =	shalt  }
0x69: {  	_ =	shalt  }
0x6a: {  	_ =	shalt  }
0x6b: {  	_ =	shalt  }
0x6c: {  	_ =	shalt  }
0x6d: {  	_ =	shalt  }
0x6e: {  	_ =	shalt  }
0x6f: {  	_ =	shalt  }
0x70: {  	_ =	shalt  }
0x71: {  	_ =	shalt  }
0x72: {  	_ =	shalt  }
0x73: {  	_ =	shalt  }
0x74: {  	_ =	shalt  }
0x75: {  	_ =	shalt  }
0x76: {  	_ =	shalt  }
0x77: {  	_ =	shalt  }
0x78: {  	_ =	shalt  }
0x79: {  	_ =	shalt  }
0x7a: {  	_ =	shalt  }
0x7b: {  	_ =	shalt  }
0x7c: {  	_ =	shalt  }
0x7d: {  	_ =	shalt  }
0x7e: {  	_ =	shalt  }
0x7f: {  	_ =	shalt  }
0x80: {  	_ =	shalt  }
0x81: {  	_ =	shalt  }
0x82: {  	_ =	shalt  }
0x83: {  	_ =	shalt  }
0x84: {  	_ =	shalt  }
0x85: {  	_ =	shalt  }
0x86: {  	_ =	shalt  }
0x87: {  	_ =	shalt  }
.Lfunc_end0:
.L_simem_size_0:
called_computation_lowered:
.L_overlay_start_0:
0x88: {  	s2 =	sld [smem:$0x3FD9]  }
0x89: {  	s3 =	sld [smem:$0x3FFE];
	_ =	sdelay $0x1  }
0x8a: {  	s1 =	srdreg.scid  }
0x8b: {  	s0 =	sand.u32 $0x1, s1  }
0x8c: {  	s15 =	sshll.u32 s0, $0xA;
	s2 =	sadd.s32 s3, s2  }
0x8d: {  	s2 =	sadd.s32 s2, s15  }
0x8e: {  	[smem:$0x3FC2] =	sst s2  }
0x8f: {  	_ = 	snop  }
0x90: {  	s2 =	sld [smem:$0x3FD0];
	_ =	sdelay $0x1  }
0x91: {  	s16 =	sld [smem:$0x3FC9]  }
0x92: {  	s5 =	simm.s32 $0xA;
	s6 =	simm.s32 $0x10;
	s4 =	sld [smem:$0x3FC8]  }
0x93: {  	[smem:s6], [sflag:s5] =	dma.local [hbm:s2], $0x1  }
0x94: {  	_ =	swait.eq [sflag:s5], $0x1  }
0x95: {  	[sflag:s5] =	ssyncset.done $0x0  }
0x96: {  	s17 =	sld [smem:$0x10];
	[sflag:s5] =	ssyncadd.s32 $0xFFFFFFFF  }
0x97: {  	s18 =	sld [smem:$0x11];
	(tm) =	ssettm $0x1  }
0x98: {  	s19 =	sld [smem:$0x3FFB];
	_ =	sdelay $0x3  }
0x99: {  	_ =	strace s19  }
0x9a: {  	s6 =	sld [smem:$0x3FFC];
	_ =	sdelay $0x3  }
0x9b: {  	_ =	strace s6  }
0x9c: {  	s6 =	sld [smem:$0x3FFD];
	_ =	sdelay $0x3  }
0x9d: {  	_ =	strace s6  }
0x9e: {  	_ =	strace $0x8FFFFFFF  }
0x9f: {  	s20 =	sld [smem:$0x3FDB];
	_ =	sdelay $0x1  }
0xa0: {  	s7 =	simm.s32 $_scs_section_size  }
0xa1: {  	s8 =	simm.s32 $_size__tile_overlayer_lowered;
	s9 =	simm.s32 $_tile_overlayer_lowered  }
0xa2: {  	s23 =	simm.s32 $0x1BFF;
	s22 =	sshll.u32 s9, $0x1;
	s6 =	sadd.s32 s7, s20  }
0xa3: {  	s10 =	simm.s32 $0x0;
	s21 =	sshll.u32 s8, $0x1;
	s8 =	sadd.s32 s22, s6  }
0xa4: {  	[timem:s10], [sflag:s23] =	dma.local [hbm:s8], s21  }
0xa5: {  	_ =	swait.ge [sflag:s23], s21  }
0xa6: {  	s7 =	ssub.s32 $0x0, s21;
	[sflag:s23] =	ssyncset.done $0x0  }
0xa7: {  	[sflag:s23] =	ssyncadd.s32 s7;
	_ =	sdelay $0x1  }
0xa8: {  	s24 =	simm.s32 $0x1B8B  }
0xa9: {  	_ =	swait.ge [sflag:s24], $0x1  }
0xaa: {  	[sflag:s24] =	ssyncset.done $0x0  }
0xab: {  	s25 =	simm.s32 $0x1B8E;
	[sflag:s24] =	ssyncadd.s32 $0xFFFFFFFF  }
0xac: {  	s26 =	simm.s32 $execute0_lowered;
	[smem:$0x3FD2] =	sst s25  }
0xad: {  	s7 =	sshll.u32 s26, $0x1;
	_ =	strace $0x80000046;
	[dreg:$0x1] =	wrdreg $0xFFFFFFFF  }
0xae: {  	s28 =	simm.s32 $_size_execute0_lowered;
	s6 =	sadd.s32 s6, s7;
	[dreg:$0x0] =	wrdreg $0x0  }
0xaf: {  	s7 =	sshll.u32 s28, $0x1;
	[dreg:$0x2] =	wrdreg s6  }
0xb0: {  	[dreg:$0x3] =	wrdreg s7  }
0xb1: {  	[dreg:$0x4] =	wrdreg $0xC0  }
0xb2: {  	_ =	task [dreg:s10], $0x5FFFF  }
0xb3: {  	[dreg:$0x1] =	wrdreg $0xFFFFFFFF  }
0xb4: {  	[dreg:$0x0] =	wrdreg $0x60  }
0xb5: {  	[dreg:$0x2] =	wrdreg s16  }
0xb6: {  	[dreg:$0x3] =	wrdreg s4  }
0xb7: {  	[dreg:$0x4] =	wrdreg s18  }
0xb8: {  	[dreg:$0x5] =	wrdreg s17  }
0xb9: {  	[dreg:$0x6] =	wrdreg $0x9  }
0xba: {  	_ =	task.clear_ibuf [dreg:s10], $0x7FFFF;
	_ =	strace $0x90000046  }
0xbb: {  	s29 =	simm.s32 $0x9;
	_ =	strace $0x80000048  }
0xbc: {  	_ =	swait.ge [sflag:s29], $0x1  }
0xbd: {  	[sflag:s29] =	ssyncadd.s32 $0xFFFFFFFF  }
0xbe: {  	_ =	strace $0x90000048  }
0xbf: {  	_ =	sfence  }
0xc0: {  	s30 =	sld [smem:$0x0];
	_ =	sdelay $0x2  }
0xc1: {  	s31 =	sshll.u32 s1, $0xD;
	s1 =	sshrl.u32 s1, $0x2  }
0xc2: {  	s3 =	sand.u32 $0x4000, s31;
	s1 =	sadd.s32 s1, s30  }
0xc3: {  	s0 =	sor.u32 s3, s0;
	s1 =	sshll.u32 s1, $0x11  }
0xc4: {  	s0 =	sor.u32 s1, s0  }
0xc5: {  	s0 =	sadd.s32 $0x8F2B, s0  }
0xc6: {  	[sflag:s0] =	ssyncadd.remote.s32 $0x1  }
0xc7: {  	_ =	sfence.sel $0xFFFF  }
0xc8: {  	[dreg:$0x0] =	wrdreg $0xFFFFFFFF;
	(pc) =	sbr.abs _section_cstart, $3  }
0xc9: {  	[dreg:$0x1] =	wrdreg $0xFFFFFFFF  }
0xca: {  	_ =	task.clear_ibuf [dreg:s10], $0x2FFFF;
	_ =	strace $0x9FFFFFFF  }
0xcb: {  	(tm) =	ssettm $0x7FFFFFFF  }
tec
execute0_lowered:
.L_overlay_start_1:
0x0: {  	(tag) =	ssettag $0x1  }
0x1: {  	s1 =	rddreg [dreg:$0x0]  }
0x2: {  	s2 =	rddreg [dreg:$0x1]  }
0x3: {  	s6 =	rddreg [dreg:$0x2]  }
0x4: {  	s7 =	rddreg [dreg:$0x3];
	s5 =	srdreg.scid;
	s4 =	simm.s32 $0x0  }
0x5: {  	s3 =	stileid.u32;
	s12 =	simm.s32 $0x1D400;
	s13 =	simm.s32 $0x0  }
0x6: {  	s5 =	sand.u32 $0x1, s5;
	[smem:$0x7FF] =	sst s4;
	s8 =	sshll.u32 s3, $0x5  }
.Ltmp0:
0x7: {  	s9 =	sshll.u32 s5, $0x4;
	s10 =	ssub.s32 $0x2, s5;
	(pc) =	sbr.rel .LBB2_1-.Ltmp0, $4  }
0x8: {  	_ =	strace $0x80000047;
	s5 =	sor.u32 s9, s8;
	s31 =	sshrl.u32 s10, $0x1  }
0x9: {  	s9 =	sshll.u32 s5, $0x5;
	s11 =	sshrl.u32 s5, $0x3;
	s8 =	ssub.s32 s10, s31  }
0xa: {  	s10 =	simm.s32 $0x1;
	s6 =	sadd.s32 s6, s9;
	s7 =	sadd.s32 s7, s11  }
0xb: {  	v0 =	vimm.s32 $0x7FFFFFFF;
	v1 =	vimm.f32 $0.0e+00;
	v2 =	vlaneseq.u32;
	s8 =	smax.u32 s8, $0x1;
	s9 =	simm.s32 $0x11000;
	s11 =	simm.s32 $0x10000  }
.LBB2_15:
0xc: {  	[hbm4b:s6+s4] =	stream.linear.scatter [tilespmem:s11], [sflag:$0x1], $0x1000, $0x38;
	[tilespmem:$0x1D480] =	vst v63  }
0xd: {  	_ =	swait.ge [sflag:s10], $0x1000  }
0xe: {  	[sflag:s10] =	ssyncset.done $0x0  }
0xf: {  	[sflag:s10] =	ssyncadd.s32 $0xFFFFF000  }
0x10: {  	v3 =	vld [tilespmem:$0x1D381]  }
0x11: {  	v4 =	vld [tilespmem:$0x1D380];
	_ =	sdelay $0x3  }
0x12: {  	s13 =	sadd.s32 $0x1, s13  }
0x13: {  	p0 =	sne.s32 s13, s8;
	v3 =	vsub.s32 v3, v4  }
.Ltmp1:
0x14: {  	[tilespmem:$0x1D400] =	vst v3;
	(pc) =	sbr.rel @!p0 .LBB2_16-.Ltmp1, $4  }
0x15: {  	[hbm4b:s7+s4] =	stream.linear.scatter [tilespmem:s12], [sflag:$0x1], $0x10, $0x38;
	[tilespmem:$0x1D480] =	vst v63  }
0x16: {  	_ =	swait.ge [sflag:s10], $0x10  }
0x17: {  	[sflag:s10] =	ssyncset.done $0x0  }
0x18: {  	[sflag:s10] =	ssyncadd.s32 $0xFFFFFFF0  }
.LBB2_1:
0x19: {  	[tilespmem:s9], [sflag:$0x1] =	stream.linear.gather [hbm4b:s2+s4], $0xC350, $0x38;
	[tilespmem:$0x1D480] =	vst v63  }
0x1a: {  	_ =	swait.ge [sflag:s10], $0xC350  }
0x1b: {  	[sflag:s10] =	ssyncset.done $0x0  }
0x1c: {  	s14 =	sand.u32 $0x800, s4;
	s15 =	sand.u32 $0x380, s4;
	[sflag:s10] =	ssyncadd.s32 $0xFFFF3CB0  }
0x1d: {  	s14 =	sor.u32 s15, s14;
	[tilespmem:$0x1D350] =	vst v0  }
0x1e: {  	[tilespmem:s14+$0x10470] =	vst v1  }
0x1f: {  	[tilespmem:s14+$0x10000] =	vst v1  }
0x20: {  	[tilespmem:s14+$0x10010] =	vst v1  }
0x21: {  	[tilespmem:s14+$0x10020] =	vst v1  }
0x22: {  	[tilespmem:s14+$0x10030] =	vst v1  }
0x23: {  	[tilespmem:s14+$0x10040] =	vst v1  }
0x24: {  	[tilespmem:s14+$0x10050] =	vst v1  }
0x25: {  	[tilespmem:s14+$0x10060] =	vst v1  }
0x26: {  	[tilespmem:s14+$0x10070] =	vst v1  }
0x27: {  	[tilespmem:s14+$0x10400] =	vst v1  }
0x28: {  	[tilespmem:s14+$0x10410] =	vst v1  }
0x29: {  	[tilespmem:s14+$0x10420] =	vst v1  }
0x2a: {  	[tilespmem:s14+$0x10430] =	vst v1  }
0x2b: {  	s16 =	simm.s32 $0x100;
	s15 =	simm.s32 $0x80;
	[tilespmem:s14+$0x10440] =	vst v1  }
0x2c: {  	s17 =	sand.u32 $0x800, s16;
	s16 =	simm.s32 $0x200;
	s18 =	sand.u32 $0x380, s15;
	[tilespmem:s14+$0x10450] =	vst v1  }
.LBB2_2:
0x2d: {  	p0 =	sne.s32 s16, $0xF00;
	[tilespmem:s14+$0x10460] =	vst v1;
	s14 =	sor.u32 s18, s17  }
0x2e: {  	[tilespmem:s14+$0x10470] =	vst v1  }
0x2f: {  	[tilespmem:s14+$0x10000] =	vst v1  }
0x30: {  	[tilespmem:s14+$0x10010] =	vst v1  }
0x31: {  	[tilespmem:s14+$0x10020] =	vst v1  }
0x32: {  	[tilespmem:s14+$0x10030] =	vst v1  }
0x33: {  	[tilespmem:s14+$0x10040] =	vst v1  }
0x34: {  	[tilespmem:s14+$0x10050] =	vst v1  }
0x35: {  	[tilespmem:s14+$0x10060] =	vst v1  }
0x36: {  	[tilespmem:s14+$0x10070] =	vst v1  }
0x37: {  	[tilespmem:s14+$0x10400] =	vst v1  }
.Ltmp2:
0x38: {  	[tilespmem:s14+$0x10410] =	vst v1;
	(pc) =	sbr.rel @p0 .LBB2_2-.Ltmp2, $4  }
0x39: {  	[tilespmem:s14+$0x10420] =	vst v1  }
0x3a: {  	[tilespmem:s14+$0x10430] =	vst v1  }
0x3b: {  	s15 =	sadd.s32 $0x80, s15;
	[tilespmem:s14+$0x10440] =	vst v1  }
0x3c: {  	s17 =	sand.u32 $0x800, s16;
	s16 =	sadd.s32 $0x100, s16;
	s18 =	sand.u32 $0x380, s15;
	[tilespmem:s14+$0x10450] =	vst v1  }
0x3d: {  	s15 =	sor.u32 s18, s17;
	[tilespmem:s14+$0x10460] =	vst v1  }
0x3e: {  	[tilespmem:s15+$0x10470] =	vst v1  }
0x3f: {  	[tilespmem:s15+$0x10000] =	vst v1  }
0x40: {  	[tilespmem:s15+$0x10010] =	vst v1  }
0x41: {  	[tilespmem:s15+$0x10020] =	vst v1  }
0x42: {  	[tilespmem:s15+$0x10030] =	vst v1  }
0x43: {  	[tilespmem:s15+$0x10040] =	vst v1  }
0x44: {  	[tilespmem:s15+$0x10050] =	vst v1  }
0x45: {  	[tilespmem:s15+$0x10060] =	vst v1  }
0x46: {  	[tilespmem:s15+$0x10070] =	vst v1  }
0x47: {  	[tilespmem:s15+$0x10400] =	vst v1  }
0x48: {  	[tilespmem:s15+$0x10410] =	vst v1  }
0x49: {  	[tilespmem:s15+$0x10420] =	vst v1  }
0x4a: {  	[tilespmem:s15+$0x10430] =	vst v1  }
0x4b: {  	[tilespmem:s15+$0x10440] =	vst v1  }
0x4c: {  	[tilespmem:s15+$0x10450] =	vst v1  }
0x4d: {  	s14 =	simm.s32 $0x0;
	v3 =	vimm.s32 $0x0;
	v4 =	vimm.s32 $0x0;
	[tilespmem:s15+$0x10460] =	vst v1  }
.LBB2_4:
0x4e: {  	s16 =	sadd.s32 s5, s14;
	s17 =	simm.s32 $0xC350  }
0x4f: {  	s19 =	simm.s32 $0xC350;
	s18 =	simm.s32 $0xF;
	s15 =	simm.s32 $0x0  }
.LBB2_5:
0x50: {  	s20 =	smov.u32 s17  }
0x51: {  	p0 =	sne.s32 s18, $0x1;
	s17 =	sand.u32 $0x1, s19  }
0x52: {  	p1 =	slt.s32 s19, $0x1;
	p2 =	seq.s32 s17, $0x1  }
0x53: {  	s17 =	sshrl.u32 s19, $0x1F;
	p1 =	por !p1, !p2  }
0x54: {  	s17 =	sadd.s32 s17, s19;
	s19 =	simm.s32 $0x1;
	p1 =	por !p1, !p1  }
0x55: {  	s17 =	sshra.s32 s17, $0x1;
	s19 =	simm.s32 @!p1 $0x0  }
0x56: {  	s17 =	ssub.s32 s17, s19  }
0x57: {  	p1 =	slt.s32 s17, $0xC34F;
	s19 =	smov.u32 s17  }
0x58: {  	s19 =	simm.s32 @!p1 $0xC34F  }
0x59: {  	v5 =	vld [tilespmem:s19+$0x11000];
	_ =	sdelay $0x4  }
0x5a: {  	(v2sf) =	vpush v5, $0x0;
	_ =	sdelay $0xd  }
0x5b: {  	s19 =	sadd.s32 $0x1, s17  }
.Ltmp3:
0x5c: {  	s21 =	spop (v2sf);
	(pc) =	sbr.rel @p0 .LBB2_5-.Ltmp3, $4  }
0x5d: {  	p1 =	slt.s32 s19, s20;
	p2 =	slt.s32 s21, s16;
	s21 =	smov.u32 s20  }
0x5e: {  	s21 =	smov.u32 @p1 s19  }
0x5f: {  	s17 =	smov.u32 @p2 s20;
	s15 =	smov.u32 @p2 s21  }
0x60: {  	s18 =	sadd.s32 $0xFFFFFFFF, s18;
	s19 =	sadd.s32 s15, s17  }
0x61: {  	s18 =	sand.u32 $0x1, s19  }
0x62: {  	p0 =	slt.s32 s19, $0x1;
	p1 =	seq.s32 s18, $0x1  }
0x63: {  	s30 =	sshrl.u32 s19, $0x1F;
	p0 =	por !p0, !p1  }
0x64: {  	s18 =	sadd.s32 s30, s19;
	s19 =	simm.s32 $0x1;
	p0 =	por !p0, !p0  }
0x65: {  	s18 =	sshra.s32 s18, $0x1;
	s19 =	simm.s32 @!p0 $0x0  }
0x66: {  	s18 =	ssub.s32 s18, s19  }
0x67: {  	p0 =	slt.s32 s18, $0xC34F  }
0x68: {  	s19 =	sadd.s32 $0x1, s18;
	s18 =	simm.s32 @!p0 $0xC34F  }
0x69: {  	v5 =	vld [tilespmem:s18+$0x11000];
	_ =	sdelay $0x4  }
0x6a: {  	(v2sf) =	vpush v5, $0x0;
	_ =	sdelay $0xb  }
0x6b: {  	s20 =	sadd.s32 $0xFFFFFFF0, s14;
	p0 =	slt.s32 s19, s17;
	v5 =	vmov s14;
	s14 =	sadd.s32 $0x1, s14  }
0x6c: {  	s17 =	smov.u32 @p0 s19;
	p0 =	sne.s32 s14, $0x11  }
.Ltmp4:
0x6d: {  	_ = 	snop;
	(pc) =	sbr.rel @p0 .LBB2_4-.Ltmp4, $4  }
0x6e: {  	s31 =	spop (v2sf)  }
0x6f: {  	v6 =	vmov s20;
	p1 =	slt.s32 s31, s16  }
0x70: {  	vm1 =	veq.s32 v6, v2;
	vm0 =	veq.s32 v5, v2;
	s15 =	smov.u32 @p1 s17  }
0x71: {  	v4 =	vsel vm0, s15, v4;
	v3 =	vsel vm1, s15, v3  }
0x72: {  	(v2sf) =	vpush v4, $0x0;
	_ =	sdelay $0x6  }
0x73: {  	(v2sf) =	vpush v3, $0x0;
	_ =	sdelay $0x7  }
0x74: {  	s14 =	spop (v2sf)  }
0x75: {  	s15 =	sand.u32 $0x7, s14  }
0x76: {  	s16 =	sshra.s32 s14, $0x1F;
	p0 =	slt.s32 s14, $0x1;
	p1 =	sne.s32 s15, $0x0  }
0x77: {  	s28 =	sshrl.u32 s16, $0x1D;
	p0 =	por !p0, !p1  }
0x78: {  	s15 =	simm.s32 $0x1;
	s14 =	sadd.s32 s28, s14;
	p0 =	por !p0, !p0  }
0x79: {  	s14 =	sshrl.u32 s14, $0x3;
	s15 =	simm.s32 @!p0 $0x0  }
0x7a: {  	s14 =	ssub.s32 s14, s15  }
0x7b: {  	s29 =	spop (v2sf);
	s14 =	sshll.u32 s14, $0x3  }
0x7c: {  	s15 =	ssub.s32 s29, s14  }
0x7d: {  	s15 =	sadd.s32 $0xFF, s15  }
0x7e: {  	s30 =	sand.u32 $0xFF, s15  }
0x7f: {  	s17 =	sshra.s32 s15, $0x1F;
	p5 =	slt.s32 s15, $0x1;
	p6 =	sne.s32 s30, $0x0  }
0x80: {  	s31 =	sshrl.u32 s17, $0x18;
	p0 =	por !p5, !p6  }
0x81: {  	s16 =	simm.s32 $0x1;
	s15 =	sadd.s32 s31, s15;
	p0 =	por !p0, !p0  }
0x82: {  	s15 =	sshra.s32 s15, $0x8;
	s16 =	simm.s32 @!p0 $0x0  }
0x83: {  	s15 =	ssub.s32 s15, s16  }
0x84: {  	p0 =	slt.s32 s15, $0x1  }
.Ltmp5:
0x85: {  	_ = 	snop;
	(pc) =	sbr.rel @!p0 .LBB2_8-.Ltmp5, $4  }
.Ltmp6:
0x86: {  	_ = 	snop;
	(pc) =	sbr.rel @p0 .LBB2_15-.Ltmp6, $4  }
0x87: {  	_ = 	snop  }
0x88: {  	[tilespmem:$0x1D380] =	vst v4  }
0x89: {  	[tilespmem:$0x1D390] =	vst v3;
	s18 =	simm.s32 $0x0;
	s17 =	smov.u32 s14;
	s16 =	simm.s32 $0x0  }
0x8a: {  	_ = 	snop  }
.LBB2_14:
0x8b: {  	s18 =	sadd.s32 $0x1, s18  }
0x8c: {  	p0 =	sne.s32 s18, s15  }
.Ltmp7:
0x8d: {  	_ = 	snop;
	(pc) =	sbr.rel @!p0 .LBB2_15-.Ltmp7, $2  }
0x8e: {  	_ =	sdelay $0x2  }
0x8f: {  	s17 =	sadd.s32 $0x100, s17  }
.LBB2_8:
0x90: {  	s19 =	sshll.u32 s18, $0x8  }
0x91: {  	s19 =	sadd.s32 s14, s19  }
0x92: {  	p0 =	slt.s32 s19, $0xC250;
	s20 =	smov.u32 s19  }
0x93: {  	s20 =	simm.s32 @!p0 $0xC250  }
0x94: {  	s21 =	smov.u32 s17;
	p0 =	slt.s32 s17, $0xC250;
	s22 =	sshll.u32 s20, $0x5  }
.Ltmp8:
0x95: {  	s21 =	simm.s32 @!p0 $0xC250;
	s22 =	sadd.s32 s1, s22;
	(pc) =	sbr.rel .LBB2_9-.Ltmp8, $4  }
0x96: {  	[tilespmem:s16], [sflag:$0x1] =	stream.linear.gather [hbm4b:s22+s16], $0x10000, $0x38;
	[tilespmem:$0x1D480] =	vst v63  }
0x97: {  	s24 =	simm.s32 $0x0;
	s31 =	sshll.u32 s21, $0x7;
	_ =	swait.ge [sflag:s10], $0x10000  }
0x98: {  	s23 =	sshll.u32 s21, $0x8;
	s21 =	ssub.s32 $0x0, s31;
	[sflag:s10] =	ssyncset.done $0x0  }
0x99: {  	s22 =	ssub.s32 $0x0, s23;
	s23 =	sadd.s32 $0x100, s19;
	[sflag:s10] =	ssyncadd.s32 $0xFFFF0000  }
.LBB2_12:
0x9a: {  	s0 =	sshll.u32 s24, $0x8;
	s25 =	sshll.u32 s24, $0x7  }
0x9b: {  	s0 =	sand.u32 $0x800, s0;
	s25 =	sand.u32 $0x380, s25  }
0x9c: {  	v24 =	vld [tilespmem:s26+$0x450];
	s0 =	sor.u32 s25, s0  }
0x9d: {  	v25 =	vld [tilespmem:s26+$0x460];
	s25 =	sor.u32 $0x10000, s0  }
0x9e: {  	s28 =	sor.u32 $0x10010, s0;
	[tilespmem:s25+$0x0] =	vst.add.f32.msk $0xffff, v18  }
0x9f: {  	s29 =	sor.u32 $0x10020, s0;
	[tilespmem:s28+$0x0] =	vst.add.f32.msk $0xffff, v17  }
0xa0: {  	s30 =	sor.u32 $0x10030, s0;
	[tilespmem:s29+$0x0] =	vst.add.f32.msk $0xffff, v15  }
0xa1: {  	s31 =	sor.u32 $0x10040, s0;
	[tilespmem:s30+$0x0] =	vst.add.f32.msk $0xffff, v11  }
0xa2: {  	s26 =	sor.u32 $0x10050, s0;
	[tilespmem:s31+$0x0] =	vst.add.f32.msk $0xffff, v12  }
0xa3: {  	s28 =	sor.u32 $0x10060, s0;
	[tilespmem:s26+$0x0] =	vst.add.f32.msk $0xffff, v13  }
0xa4: {  	v4 =	vadd.f32 v23, v4;
	s29 =	sor.u32 $0x10070, s0;
	[tilespmem:s28+$0x0] =	vst.add.f32.msk $0xffff, v14  }
0xa5: {  	v59 =	vadd.f32 v21, v16;
	s30 =	sor.u32 $0x10400, s0;
	[tilespmem:s29+$0x0] =	vst.add.f32.msk $0xffff, v8  }
0xa6: {  	v60 =	vadd.f32 v19, v10;
	s31 =	sor.u32 $0x10410, s0;
	[tilespmem:s30+$0x0] =	vst.add.f32.msk $0xffff, v4  }
0xa7: {  	v61 =	vadd.f32 v20, v7;
	s26 =	sor.u32 $0x10420, s0;
	[tilespmem:s31+$0x0] =	vst.add.f32.msk $0xffff, v59  }
0xa8: {  	v62 =	vadd.f32 v22, v9;
	s28 =	sor.u32 $0x10430, s0;
	[tilespmem:s26+$0x0] =	vst.add.f32.msk $0xffff, v60  }
0xa9: {  	v6 =	vadd.f32 v24, v6;
	s29 =	sor.u32 $0x10440, s0;
	[tilespmem:s28+$0x0] =	vst.add.f32.msk $0xffff, v61  }
0xaa: {  	v63 =	vadd.f32 v25, v5;
	s30 =	sor.u32 $0x10450, s0;
	[tilespmem:s29+$0x0] =	vst.add.f32.msk $0xffff, v62  }
0xab: {  	s31 =	sor.u32 $0x10460, s0;
	[tilespmem:s30+$0x0] =	vst.add.f32.msk $0xffff, v6  }
0xac: {  	s0 =	sor.u32 $0x10470, s0;
	[tilespmem:s31+$0x0] =	vst.add.f32.msk $0xffff, v63  }
0xad: {  	[tilespmem:s0+$0x0] =	vst.add.f32.msk $0xffff, v3  }
.LBB2_13:
0xae: {  	s24 =	sadd.s32 $0x1, s24  }
0xaf: {  	p0 =	sne.s32 s24, $0x10  }
.Ltmp9:
0xb0: {  	_ = 	snop;
	(pc) =	sbr.rel @!p0 .LBB2_14-.Ltmp9, $1  }
0xb1: {  	_ =	sdelay $0x3  }
.LBB2_9:
0xb2: {  	v3 =	vld [tilespmem:s24+$0x1D380]  }
0xb3: {  	v4 =	vld [tilespmem:s24+$0x1D381];
	_ =	sdelay $0x3  }
0xb4: {  	(v2sf) =	vpush v3, $0x0  }
0xb5: {  	(v2sf) =	vpush v4, $0x0;
	_ =	sdelay $0xd  }
0xb6: {  	s26 =	spop (v2sf)  }
0xb7: {  	s28 =	smov.u32 s19;
	s25 =	spop (v2sf)  }
0xb8: {  	s29 =	smov.u32 s23;
	p0 =	sgt.s32 s26, s19;
	p1 =	slt.s32 s25, s23  }
0xb9: {  	s28 =	smov.u32 @p0 s26;
	s29 =	smov.u32 @p1 s25  }
0xba: {  	s28 =	ssub.s32 s28, s20;
	s25 =	ssub.s32 s29, s20  }
0xbb: {  	p0 =	sge.s32 s28, s25  }
.Ltmp10:
0xbc: {  	_ = 	snop;
	(pc) =	sbr.rel @p0 .LBB2_13-.Ltmp10, $1  }
0xbd: {  	_ =	sdelay $0x3  }
0xbe: {  	p0 =	sgt.s32 s26, s17;
	s29 =	smov.u32 s17  }
0xbf: {  	s29 =	smov.u32 @p0 s26  }
0xc0: {  	s26 =	sshll.u32 s29, $0x7;
	s29 =	sshll.u32 s29, $0x8  }
0xc1: {  	s30 =	sadd.s32 s26, s21;
	s31 =	sadd.s32 s29, s22  }
0xc2: {  	s0 =	sand.u32 $0xFFFFF800, s31;
	s29 =	sand.u32 $0x380, s30  }
0xc3: {  	s26 =	sor.u32 s29, s0  }
0xc4: {  	v3 =	vld [tilespmem:s26+$0x470]  }
0xc5: {  	v5 =	vld [tilespmem:s26+$0x0]  }
0xc6: {  	v6 =	vld [tilespmem:s26+$0x10]  }
0xc7: {  	v7 =	vld [tilespmem:s26+$0x20]  }
0xc8: {  	v8 =	vld [tilespmem:s26+$0x30]  }
0xc9: {  	v9 =	vld [tilespmem:s26+$0x40]  }
0xca: {  	v10 =	vld [tilespmem:s26+$0x50]  }
0xcb: {  	v14 =	vld [tilespmem:s26+$0x60]  }
0xcc: {  	v4 =	vimm.f32 $0.0e+00;
	v16 =	vld [tilespmem:s26+$0x70]  }
0xcd: {  	s28 =	sadd.s32 $0x1, s28;
	v3 =	vadd.f32 v3, v4  }
0xce: {  	p0 =	slt.s32 s28, s25;
	v18 =	vadd.f32 v5, v4;
	v17 =	vadd.f32 v6, v4  }
.Ltmp11:
0xcf: {  	v23 =	vld [tilespmem:s26+$0x400];
	v15 =	vadd.f32 v7, v4;
	v11 =	vadd.f32 v8, v4;
	(pc) =	sbr.rel @!p0 .LBB2_12-.Ltmp11, $4  }
0xd0: {  	v21 =	vld [tilespmem:s26+$0x410];
	v12 =	vadd.f32 v9, v4;
	v13 =	vadd.f32 v10, v4  }
0xd1: {  	v19 =	vld [tilespmem:s26+$0x420];
	v14 =	vadd.f32 v14, v4;
	v8 =	vadd.f32 v16, v4  }
0xd2: {  	v20 =	vld [tilespmem:s26+$0x430];
	v16 =	vimm.f32 $0.0e+00;
	v10 =	vimm.f32 $0.0e+00;
	v7 =	vimm.f32 $0.0e+00  }
0xd3: {  	s29 =	sadd.s32 $0x80, s30;
	s30 =	sadd.s32 $0x100, s31;
	v22 =	vld [tilespmem:s26+$0x440];
	v9 =	vimm.f32 $0.0e+00;
	v6 =	vimm.f32 $0.0e+00;
	v5 =	vimm.f32 $0.0e+00  }
.LBB2_11:
0xd4: {  	s31 =	sand.u32 $0xFFFFF800, s30;
	s0 =	sand.u32 $0x380, s29;
	s28 =	sadd.s32 $0x1, s28;
	v4 =	vadd.f32 v23, v4;
	v23 =	vld [tilespmem:s26+$0x450]  }
0xd5: {  	v16 =	vadd.f32 v21, v16;
	p0 =	slt.s32 s28, s25;
	v21 =	vld [tilespmem:s26+$0x460];
	s26 =	sor.u32 s0, s31  }
0xd6: {  	v10 =	vadd.f32 v19, v10;
	v24 =	vld [tilespmem:s26+$0x470]  }
0xd7: {  	v7 =	vadd.f32 v20, v7;
	v19 =	vld [tilespmem:s26+$0x0]  }
0xd8: {  	v9 =	vadd.f32 v22, v9;
	v20 =	vld [tilespmem:s26+$0x10]  }
0xd9: {  	v22 =	vld [tilespmem:s26+$0x20];
	v6 =	vadd.f32 v23, v6  }
0xda: {  	v23 =	vld [tilespmem:s26+$0x30];
	v5 =	vadd.f32 v21, v5  }
0xdb: {  	v21 =	vld [tilespmem:s26+$0x40];
	v3 =	vadd.f32 v24, v3  }
0xdc: {  	v18 =	vadd.f32 v19, v18;
	v19 =	vld [tilespmem:s26+$0x50]  }
0xdd: {  	v17 =	vadd.f32 v20, v17;
	v20 =	vld [tilespmem:s26+$0x60]  }
0xde: {  	v15 =	vadd.f32 v22, v15;
	v22 =	vld [tilespmem:s26+$0x70]  }
.Ltmp12:
0xdf: {  	v11 =	vadd.f32 v23, v11;
	v23 =	vld [tilespmem:s26+$0x400];
	(pc) =	sbr.rel @p0 .LBB2_11-.Ltmp12, $4  }
0xe0: {  	v12 =	vadd.f32 v21, v12;
	v21 =	vld [tilespmem:s26+$0x410]  }
0xe1: {  	v13 =	vadd.f32 v19, v13;
	v19 =	vld [tilespmem:s26+$0x420]  }
0xe2: {  	v14 =	vadd.f32 v20, v14;
	v20 =	vld [tilespmem:s26+$0x430]  }
0xe3: {  	s29 =	sadd.s32 $0x80, s29;
	s30 =	sadd.s32 $0x100, s30;
	v8 =	vadd.f32 v22, v8;
	v22 =	vld [tilespmem:s26+$0x440]  }
.Ltmp13:
0xe4: {  	_ = 	snop;
	(pc) =	sbr.rel .LBB2_12-.Ltmp13, $1  }
0xe5: {  	_ =	sdelay $0x3  }
.LBB2_16:
0xe6: {  	_ =	sfence.sel $0x180000  }
0xe7: {  	[bflag:$0x0] =	sbarrier.arrive $0xFFFF  }
0xe8: {  	_ =	strace $0x90000047  }
0xe9: {  	[bflag:$0x2] =	sbarrier.arrive $0xFFFF  }
0xea: {  	p0 =	sne.s32 s3, $0x0;
	s0 =	rddreg [dreg:$0x4]  }
0xeb: {  	s0 =	sadd.s32 @!p0 $0x100000, s0  }
0xec: {  	[sflag:s0] =	ssyncadd.tile.s32 @!p0 $0x1;
	_ =	shalt  }
.Lfunc_end2:
_tile_overlayer_lowered:
.L_overlay_start_2:
0xed: {  	(tag) =	ssettag $0x2  }
0xee: {  	s0 =	rddreg [dreg:$0x0];
	s2 =	stileid.u32  }
0xef: {  	s1 =	rddreg [dreg:$0x1];
	p0 =	sne.s32 s2, $0x0  }
0xf0: {  	s3 =	rddreg [dreg:$0x2];
	[bflag:$0x3] =	sbarrier.arrive $0xFFFF;
	s2 =	simm.s32 @!p0 $0x1C01  }
0xf1: {  	[timem:s3], [sflag:s2] =	dma.local @!p0 [hbm:s0], s1  }
0xf2: {  	s0 =	simm.s32 @!p0 $0x1  }
0xf3: {  	_ =	swait.ge @!p0 [sflag:s0], s1  }
0xf4: {  	s1 =	ssub.s32 @!p0 $0x0, s1;
	[sflag:s0] =	ssyncset.done @!p0 $0x0  }
0xf5: {  	[sflag:s0] =	ssyncadd.s32 @!p0 s1  }
0xf6: {  	[bflag:$0x3] =	sbarrier.arrive $0xFFFF  }
0xf7: {  	_ =	shalt  }

</sc_bundles>
